<compile_context>
chip_gen: v7x
topology: tpu7x:2x2x1
jax: 0.10.2.dev20260603
libtpu: 0.0.44.dev20260713+nightly
codegen_flags: <defaults>
</compile_context>

<pallas_src>
import functools

import jax
import jax.numpy as jnp
from jax import lax
from jax.experimental import pallas as pl
from jax.experimental.pallas import tpu as pltpu
from jax.experimental.pallas import tpu_sc as plsc

_VOCAB = 100000
_HIDDEN = 1024
_BATCH = 4
_SEQ = 4096

_NW = 32
_B = _BATCH * _SEQ
_BPW = _B // _NW
_K = 8
_NBUF = 8
_A = 6
_NCHUNK = _BPW // _K


@functools.partial(
    pl.kernel,
    out_type=jax.ShapeDtypeStruct((_B, _HIDDEN), jnp.float32),
    mesh=plsc.VectorSubcoreMesh(core_axis_name="c", subcore_axis_name="s"),
    scratch_types=[
        pltpu.VMEM((_BPW,), jnp.int32),
        [pltpu.VMEM((_K, _HIDDEN), jnp.float32) for _ in range(_NBUF)],
        [pltpu.SemaphoreType.DMA for _ in range(_NBUF)],
        [pltpu.SemaphoreType.DMA for _ in range(_NBUF)],
    ],
)
def _embed(table_hbm, idx_hbm, out_hbm, idx_v, bufs, gsems, ssems):
    wid = lax.axis_index("s") * 2 + lax.axis_index("c")
    base = wid * _BPW

    pltpu.sync_copy(idx_hbm.at[pl.ds(base, _BPW)], idx_v)

    def gather(i, b):
        pltpu.async_copy(
            table_hbm.at[idx_v.at[pl.ds(i * _K, _K)]], bufs[b], gsems[b]
        )

    def wait_gather(i, b):
        pltpu.make_async_copy(
            table_hbm.at[idx_v.at[pl.ds(i * _K, _K)]], bufs[b], gsems[b]
        ).wait()

    def scatter(i, b):
        pltpu.async_copy(
            bufs[b], out_hbm.at[pl.ds(base + i * _K, _K)], ssems[b]
        )

    def wait_scatter(i, b):
        pltpu.make_async_copy(
            bufs[b], out_hbm.at[pl.ds(base + i * _K, _K)], ssems[b]
        ).wait()

    for i in range(_A):
        gather(i, i)

    def step(g, carry):
        for b in range(_NBUF):
            i = g + b
            wait_gather(i, b)
            scatter(i, b)
            ia = i + _A
            ba = (b + _A) % _NBUF

            @pl.when(ia < _NCHUNK)
            def _():
                @pl.when(ia >= _NBUF)
                def _():
                    wait_scatter(ia - _NBUF, ba)

                gather(ia, ba)

        return carry

    lax.fori_loop(
        0, _NCHUNK // _NBUF, lambda t, c: step(t * _NBUF, c), 0, unroll=False
    )

    for b in range(_NBUF):
        wait_scatter(_NCHUNK - _NBUF + b, b)


def kernel(input_, weight):
    idx = input_.reshape(-1).astype(jnp.int32)
    out = _embed(weight, idx)
    return out.reshape(_BATCH, _SEQ, _HIDDEN)

# --- scband reference (transcript-rebuilt; emitter-appended) ---
"""Pipeline reference for scband-vocab-embedding-22299470201670 (READ-ONLY COPY).

The authoritative reference and input builder live on the scoring server;
editing this copy changes nothing except your own understanding.
"""

import jax, jax.numpy as jnp
import numpy as np

VOCAB = 100000
HIDDEN = 1024
BATCH = 4
SEQ = 4096

def setup_inputs(seed: int = 0) -> dict:
    key = jax.random.key(seed)
    k_idx, k_w = jax.random.split(key)
    input_ = jax.random.randint(k_idx, (BATCH, SEQ), 0, VOCAB, dtype=jnp.int64)
    # xavier_normal_ init: std = sqrt(2 / (fan_in + fan_out))
    std = float(np.sqrt(2.0 / (VOCAB + HIDDEN)))
    weight = jax.random.normal(k_w, (VOCAB, HIDDEN), dtype=jnp.float32) * std
    return {"input_": input_, "weight": weight}

def reference(input_, weight):
    # F.embedding with padding_idx=None, max_norm=None, sparse=False -> plain row gather
    output = jnp.take(weight, input_, axis=0)
    return output

if __name__ == "__main__":
    import jax
    _d = setup_inputs()
    print(jax.jit(kernel)(*tuple(_d.values())))

</pallas_src>

<mosaic_0001>
#map = affine_map<(d0, d1) -> (0, 0)>
#map1 = affine_map<(d0, d1) -> (0)>
module attributes {stable_mosaic.version = 14 : i64} {
  func.func @_embed(%arg0: i32, %arg1: i32, %arg2: memref<100000x1024xf32, #tpu.memory_space<hbm>>, %arg3: memref<16384xi32, #tpu.memory_space<hbm>>, %arg4: memref<16384x1024xf32, #tpu.memory_space<hbm>>, %arg5: memref<512xi32, #tpu.memory_space<vmem>>, %arg6: memref<8x1024xf32, #tpu.memory_space<vmem>>, %arg7: memref<8x1024xf32, #tpu.memory_space<vmem>>, %arg8: memref<8x1024xf32, #tpu.memory_space<vmem>>, %arg9: memref<8x1024xf32, #tpu.memory_space<vmem>>, %arg10: memref<8x1024xf32, #tpu.memory_space<vmem>>, %arg11: memref<8x1024xf32, #tpu.memory_space<vmem>>, %arg12: memref<8x1024xf32, #tpu.memory_space<vmem>>, %arg13: memref<8x1024xf32, #tpu.memory_space<vmem>>, %arg14: memref<!tpu.dma_semaphore, #tpu.memory_space<semaphore_mem>>, %arg15: memref<!tpu.dma_semaphore, #tpu.memory_space<semaphore_mem>>, %arg16: memref<!tpu.dma_semaphore, #tpu.memory_space<semaphore_mem>>, %arg17: memref<!tpu.dma_semaphore, #tpu.memory_space<semaphore_mem>>, %arg18: memref<!tpu.dma_semaphore, #tpu.memory_space<semaphore_mem>>, %arg19: memref<!tpu.dma_semaphore, #tpu.memory_space<semaphore_mem>>, %arg20: memref<!tpu.dma_semaphore, #tpu.memory_space<semaphore_mem>>, %arg21: memref<!tpu.dma_semaphore, #tpu.memory_space<semaphore_mem>>, %arg22: memref<!tpu.dma_semaphore, #tpu.memory_space<semaphore_mem>>, %arg23: memref<!tpu.dma_semaphore, #tpu.memory_space<semaphore_mem>>, %arg24: memref<!tpu.dma_semaphore, #tpu.memory_space<semaphore_mem>>, %arg25: memref<!tpu.dma_semaphore, #tpu.memory_space<semaphore_mem>>, %arg26: memref<!tpu.dma_semaphore, #tpu.memory_space<semaphore_mem>>, %arg27: memref<!tpu.dma_semaphore, #tpu.memory_space<semaphore_mem>>, %arg28: memref<!tpu.dma_semaphore, #tpu.memory_space<semaphore_mem>>, %arg29: memref<!tpu.dma_semaphore, #tpu.memory_space<semaphore_mem>>) attributes {dimension_semantics = [#tpu.dimension_semantics<core_parallel>, #tpu.dimension_semantics<subcore_parallel>], iteration_bounds = array<i64: 2, 16>, scalar_prefetch = 0 : i64, scratch_operands = 25 : i64, tpu.core_type = #tpu.core_type<sc_vector_subcore>, window_params = [{transform_indices = #map}, {transform_indices = #map1}, {transform_indices = #map}]} {
    %mul3A = arith.constant 2 : i32
    %mul3A_0 = arith.muli %arg1, %mul3A : i32
    %add3A = arith.addi %mul3A_0, %arg0 : i32
    %mul3A_1 = arith.constant 512 : i32
    %mul3A_2 = arith.muli %add3A, %mul3A_1 : i32
    "tpu.region"() ({
      %run_scoped3A = tpu.sem_alloc : memref<!tpu.dma_semaphore, #tpu.memory_space<semaphore_mem>>
      %dma_start3A_84 = tpu.memref_slice %arg3[%mul3A_2] : memref<16384xi32, #tpu.memory_space<hbm>> -> memref<512xi32, #tpu.memory_space<hbm>>
      %dma_start3A_85 = tpu.memref_slice %arg3[%mul3A_2] : memref<16384xi32, #tpu.memory_space<hbm>> -> memref<512xi32, #tpu.memory_space<hbm>>
      tpu.enqueue_dma source(%dma_start3A_85 : memref<512xi32, #tpu.memory_space<hbm>>) target(%arg5 : memref<512xi32, #tpu.memory_space<vmem>>) target_semaphore(%run_scoped3A : memref<!tpu.dma_semaphore, #tpu.memory_space<semaphore_mem>>)
      %dma_wait3A_86 = tpu.memref_slice %arg3[%mul3A_2] : memref<16384xi32, #tpu.memory_space<hbm>> -> memref<512xi32, #tpu.memory_space<hbm>>
      %dma_wait3A_87 = tpu.memref_slice %arg3[%mul3A_2] : memref<16384xi32, #tpu.memory_space<hbm>> -> memref<512xi32, #tpu.memory_space<hbm>>
      tpu.wait_dma2 semaphore(%run_scoped3A : memref<!tpu.dma_semaphore, #tpu.memory_space<semaphore_mem>>) src(%dma_wait3A_87 : memref<512xi32, #tpu.memory_space<hbm>>) dst(%arg5 : memref<512xi32, #tpu.memory_space<vmem>>)
      tpu.yield
    }) : () -> ()
    %dma_start3A = arith.constant 0 : i32
    %dma_start3A_3 = tpu.memref_slice %arg5[%dma_start3A] : memref<512xi32, #tpu.memory_space<vmem>> -> memref<8xi32, #tpu.memory_space<vmem>>
    %dma_start3A_4 = arith.constant 0 : i32
    %dma_start3A_5 = arith.constant 0 : i32
    %dma_start3A_6 = tpu.memref_slice %arg2[%dma_start3A_4, %dma_start3A_5] : memref<100000x1024xf32, #tpu.memory_space<hbm>> -> memref<100000x1024xf32, #tpu.memory_space<hbm>>
    tpu.enqueue_indirect_dma source(%dma_start3A_6 : memref<100000x1024xf32, #tpu.memory_space<hbm>>) target(%arg6 : memref<8x1024xf32, #tpu.memory_space<vmem>>) offsets(%dma_start3A_3 : memref<8xi32, #tpu.memory_space<vmem>>) semaphore(%arg14 : memref<!tpu.dma_semaphore, #tpu.memory_space<semaphore_mem>>)
    %dma_start3A_7 = arith.constant 8 : i32
    %dma_start3A_8 = tpu.memref_slice %arg5[%dma_start3A_7] : memref<512xi32, #tpu.memory_space<vmem>> -> memref<8xi32, #tpu.memory_space<vmem>>
    %dma_start3A_9 = arith.constant 0 : i32
    %dma_start3A_10 = arith.constant 0 : i32
    %dma_start3A_11 = tpu.memref_slice %arg2[%dma_start3A_9, %dma_start3A_10] : memref<100000x1024xf32, #tpu.memory_space<hbm>> -> memref<100000x1024xf32, #tpu.memory_space<hbm>>
    tpu.enqueue_indirect_dma source(%dma_start3A_11 : memref<100000x1024xf32, #tpu.memory_space<hbm>>) target(%arg7 : memref<8x1024xf32, #tpu.memory_space<vmem>>) offsets(%dma_start3A_8 : memref<8xi32, #tpu.memory_space<vmem>>) semaphore(%arg15 : memref<!tpu.dma_semaphore, #tpu.memory_space<semaphore_mem>>)
    %dma_start3A_12 = arith.constant 16 : i32
    %dma_start3A_13 = tpu.memref_slice %arg5[%dma_start3A_12] : memref<512xi32, #tpu.memory_space<vmem>> -> memref<8xi32, #tpu.memory_space<vmem>>
    %dma_start3A_14 = arith.constant 0 : i32
    %dma_start3A_15 = arith.constant 0 : i32
    %dma_start3A_16 = tpu.memref_slice %arg2[%dma_start3A_14, %dma_start3A_15] : memref<100000x1024xf32, #tpu.memory_space<hbm>> -> memref<100000x1024xf32, #tpu.memory_space<hbm>>
    tpu.enqueue_indirect_dma source(%dma_start3A_16 : memref<100000x1024xf32, #tpu.memory_space<hbm>>) target(%arg8 : memref<8x1024xf32, #tpu.memory_space<vmem>>) offsets(%dma_start3A_13 : memref<8xi32, #tpu.memory_space<vmem>>) semaphore(%arg16 : memref<!tpu.dma_semaphore, #tpu.memory_space<semaphore_mem>>)
    %dma_start3A_17 = arith.constant 24 : i32
    %dma_start3A_18 = tpu.memref_slice %arg5[%dma_start3A_17] : memref<512xi32, #tpu.memory_space<vmem>> -> memref<8xi32, #tpu.memory_space<vmem>>
    %dma_start3A_19 = arith.constant 0 : i32
    %dma_start3A_20 = arith.constant 0 : i32
    %dma_start3A_21 = tpu.memref_slice %arg2[%dma_start3A_19, %dma_start3A_20] : memref<100000x1024xf32, #tpu.memory_space<hbm>> -> memref<100000x1024xf32, #tpu.memory_space<hbm>>
    tpu.enqueue_indirect_dma source(%dma_start3A_21 : memref<100000x1024xf32, #tpu.memory_space<hbm>>) target(%arg9 : memref<8x1024xf32, #tpu.memory_space<vmem>>) offsets(%dma_start3A_18 : memref<8xi32, #tpu.memory_space<vmem>>) semaphore(%arg17 : memref<!tpu.dma_semaphore, #tpu.memory_space<semaphore_mem>>)
    %dma_start3A_22 = arith.constant 32 : i32
    %dma_start3A_23 = tpu.memref_slice %arg5[%dma_start3A_22] : memref<512xi32, #tpu.memory_space<vmem>> -> memref<8xi32, #tpu.memory_space<vmem>>
    %dma_start3A_24 = arith.constant 0 : i32
    %dma_start3A_25 = arith.constant 0 : i32
    %dma_start3A_26 = tpu.memref_slice %arg2[%dma_start3A_24, %dma_start3A_25] : memref<100000x1024xf32, #tpu.memory_space<hbm>> -> memref<100000x1024xf32, #tpu.memory_space<hbm>>
    tpu.enqueue_indirect_dma source(%dma_start3A_26 : memref<100000x1024xf32, #tpu.memory_space<hbm>>) target(%arg10 : memref<8x1024xf32, #tpu.memory_space<vmem>>) offsets(%dma_start3A_23 : memref<8xi32, #tpu.memory_space<vmem>>) semaphore(%arg18 : memref<!tpu.dma_semaphore, #tpu.memory_space<semaphore_mem>>)
    %dma_start3A_27 = arith.constant 40 : i32
    %dma_start3A_28 = tpu.memref_slice %arg5[%dma_start3A_27] : memref<512xi32, #tpu.memory_space<vmem>> -> memref<8xi32, #tpu.memory_space<vmem>>
    %dma_start3A_29 = arith.constant 0 : i32
    %dma_start3A_30 = arith.constant 0 : i32
    %dma_start3A_31 = tpu.memref_slice %arg2[%dma_start3A_29, %dma_start3A_30] : memref<100000x1024xf32, #tpu.memory_space<hbm>> -> memref<100000x1024xf32, #tpu.memory_space<hbm>>
    tpu.enqueue_indirect_dma source(%dma_start3A_31 : memref<100000x1024xf32, #tpu.memory_space<hbm>>) target(%arg11 : memref<8x1024xf32, #tpu.memory_space<vmem>>) offsets(%dma_start3A_28 : memref<8xi32, #tpu.memory_space<vmem>>) semaphore(%arg19 : memref<!tpu.dma_semaphore, #tpu.memory_space<semaphore_mem>>)
    %scan3A = arith.constant 0 : i32
    %scan3A_32 = arith.constant 0 : i32
    %scan3A_33 = arith.constant 8 : i32
    %scan3A_34 = arith.addi %scan3A_32, %scan3A_33 : i32
    %scan3A_35 = arith.constant 1 : i32
    scf.for %scan3A_84 = %scan3A_32 to %scan3A_34 step %scan3A_35  : i32 {
      %mul3A_85 = arith.constant 8 : i32
      %mul3A_86 = arith.muli %scan3A_84, %mul3A_85 : i32
      %add3A_87 = arith.constant 0 : i32
      %add3A_88 = arith.addi %mul3A_86, %add3A_87 : i32
      %mul3A_89 = arith.constant 8 : i32
      %mul3A_90 = arith.muli %add3A_88, %mul3A_89 : i32
      %dma_wait3A_91 = tpu.memref_slice %arg5[%mul3A_90] : memref<512xi32, #tpu.memory_space<vmem>> -> memref<8xi32, #tpu.memory_space<vmem>>
      %dma_wait3A_92 = arith.constant 0 : i32
      %dma_wait3A_93 = arith.constant 0 : i32
      %dma_wait3A_94 = tpu.memref_slice %arg2[%dma_wait3A_92, %dma_wait3A_93] : memref<100000x1024xf32, #tpu.memory_space<hbm>> -> memref<100000x1024xf32, #tpu.memory_space<hbm>>
      tpu.wait_indirect_dma semaphore(%arg14 : memref<!tpu.dma_semaphore, #tpu.memory_space<semaphore_mem>>) src(%dma_wait3A_94 : memref<100000x1024xf32, #tpu.memory_space<hbm>>) dst(%arg6 : memref<8x1024xf32, #tpu.memory_space<vmem>>)
      %mul3A_95 = arith.constant 8 : i32
      %mul3A_96 = arith.muli %add3A_88, %mul3A_95 : i32
      %add3A_97 = arith.addi %mul3A_2, %mul3A_96 : i32
      %dma_start3A_98 = arith.constant 0 : i32
      %dma_start3A_99 = tpu.memref_slice %arg4[%add3A_97, %dma_start3A_98] : memref<16384x1024xf32, #tpu.memory_space<hbm>> -> memref<8x1024xf32, #tpu.memory_space<hbm>>
      %dma_start3A_100 = arith.constant 0 : i32
      %dma_start3A_101 = tpu.memref_slice %arg4[%add3A_97, %dma_start3A_100] : memref<16384x1024xf32, #tpu.memory_space<hbm>> -> memref<8x1024xf32, #tpu.memory_space<hbm>>
      tpu.enqueue_dma source(%arg6 : memref<8x1024xf32, #tpu.memory_space<vmem>>) target(%dma_start3A_101 : memref<8x1024xf32, #tpu.memory_space<hbm>>) target_semaphore(%arg22 : memref<!tpu.dma_semaphore, #tpu.memory_space<semaphore_mem>>)
      %add3A_102 = arith.constant 6 : i32
      %add3A_103 = arith.addi %add3A_88, %add3A_102 : i32
      %lt3A = arith.constant 64 : i32
      %lt3A_104 = arith.cmpi slt, %add3A_103, %lt3A : i32
      %convert_element_type3A = arith.extui %lt3A_104 : i1 to i32
      %cond3A = arith.constant 0 : i32
      %cond3A_105 = arith.cmpi ne, %convert_element_type3A, %cond3A : i32
      scf.if %cond3A_105 {
        %ge3A = arith.constant 8 : i32
        %ge3A_260 = arith.cmpi sge, %add3A_103, %ge3A : i32
        %convert_element_type3A_261 = arith.extui %ge3A_260 : i1 to i32
        %cond3A_262 = arith.constant 0 : i32
        %cond3A_263 = arith.cmpi ne, %convert_element_type3A_261, %cond3A_262 : i32
        scf.if %cond3A_263 {
          %sub3A = arith.constant 8 : i32
          %sub3A_270 = arith.subi %add3A_103, %sub3A : i32
          %mul3A_271 = arith.constant 8 : i32
          %mul3A_272 = arith.muli %sub3A_270, %mul3A_271 : i32
          %add3A_273 = arith.addi %mul3A_2, %mul3A_272 : i32
          %dma_wait3A_274 = arith.constant 0 : i32
          %dma_wait3A_275 = tpu.memref_slice %arg4[%add3A_273, %dma_wait3A_274] : memref<16384x1024xf32, #tpu.memory_space<hbm>> -> memref<8x1024xf32, #tpu.memory_space<hbm>>
          %dma_wait3A_276 = arith.constant 0 : i32
          %dma_wait3A_277 = tpu.memref_slice %arg4[%add3A_273, %dma_wait3A_276] : memref<16384x1024xf32, #tpu.memory_space<hbm>> -> memref<8x1024xf32, #tpu.memory_space<hbm>>
          tpu.wait_dma2 semaphore(%arg28 : memref<!tpu.dma_semaphore, #tpu.memory_space<semaphore_mem>>) src(%arg12 : memref<8x1024xf32, #tpu.memory_space<vmem>>) dst(%dma_wait3A_277 : memref<8x1024xf32, #tpu.memory_space<hbm>>)
        } else {
        }
        %mul3A_264 = arith.constant 8 : i32
        %mul3A_265 = arith.muli %add3A_103, %mul3A_264 : i32
        %dma_start3A_266 = tpu.memref_slice %arg5[%mul3A_265] : memref<512xi32, #tpu.memory_space<vmem>> -> memref<8xi32, #tpu.memory_space<vmem>>
        %dma_start3A_267 = arith.constant 0 : i32
        %dma_start3A_268 = arith.constant 0 : i32
        %dma_start3A_269 = tpu.memref_slice %arg2[%dma_start3A_267, %dma_start3A_268] : memref<100000x1024xf32, #tpu.memory_space<hbm>> -> memref<100000x1024xf32, #tpu.memory_space<hbm>>
        tpu.enqueue_indirect_dma source(%dma_start3A_269 : memref<100000x1024xf32, #tpu.memory_space<hbm>>) target(%arg12 : memref<8x1024xf32, #tpu.memory_space<vmem>>) offsets(%dma_start3A_266 : memref<8xi32, #tpu.memory_space<vmem>>) semaphore(%arg20 : memref<!tpu.dma_semaphore, #tpu.memory_space<semaphore_mem>>)
      } else {
      }
      %add3A_106 = arith.constant 1 : i32
      %add3A_107 = arith.addi %mul3A_86, %add3A_106 : i32
      %mul3A_108 = arith.constant 8 : i32
      %mul3A_109 = arith.muli %add3A_107, %mul3A_108 : i32
      %dma_wait3A_110 = tpu.memref_slice %arg5[%mul3A_109] : memref<512xi32, #tpu.memory_space<vmem>> -> memref<8xi32, #tpu.memory_space<vmem>>
      %dma_wait3A_111 = arith.constant 0 : i32
      %dma_wait3A_112 = arith.constant 0 : i32
      %dma_wait3A_113 = tpu.memref_slice %arg2[%dma_wait3A_111, %dma_wait3A_112] : memref<100000x1024xf32, #tpu.memory_space<hbm>> -> memref<100000x1024xf32, #tpu.memory_space<hbm>>
      tpu.wait_indirect_dma semaphore(%arg15 : memref<!tpu.dma_semaphore, #tpu.memory_space<semaphore_mem>>) src(%dma_wait3A_113 : memref<100000x1024xf32, #tpu.memory_space<hbm>>) dst(%arg7 : memref<8x1024xf32, #tpu.memory_space<vmem>>)
      %mul3A_114 = arith.constant 8 : i32
      %mul3A_115 = arith.muli %add3A_107, %mul3A_114 : i32
      %add3A_116 = arith.addi %mul3A_2, %mul3A_115 : i32
      %dma_start3A_117 = arith.constant 0 : i32
      %dma_start3A_118 = tpu.memref_slice %arg4[%add3A_116, %dma_start3A_117] : memref<16384x1024xf32, #tpu.memory_space<hbm>> -> memref<8x1024xf32, #tpu.memory_space<hbm>>
      %dma_start3A_119 = arith.constant 0 : i32
      %dma_start3A_120 = tpu.memref_slice %arg4[%add3A_116, %dma_start3A_119] : memref<16384x1024xf32, #tpu.memory_space<hbm>> -> memref<8x1024xf32, #tpu.memory_space<hbm>>
      tpu.enqueue_dma source(%arg7 : memref<8x1024xf32, #tpu.memory_space<vmem>>) target(%dma_start3A_120 : memref<8x1024xf32, #tpu.memory_space<hbm>>) target_semaphore(%arg23 : memref<!tpu.dma_semaphore, #tpu.memory_space<semaphore_mem>>)
      %add3A_121 = arith.constant 6 : i32
      %add3A_122 = arith.addi %add3A_107, %add3A_121 : i32
      %lt3A_123 = arith.constant 64 : i32
      %lt3A_124 = arith.cmpi slt, %add3A_122, %lt3A_123 : i32
      %convert_element_type3A_125 = arith.extui %lt3A_124 : i1 to i32
      %cond3A_126 = arith.constant 0 : i32
      %cond3A_127 = arith.cmpi ne, %convert_element_type3A_125, %cond3A_126 : i32
      scf.if %cond3A_127 {
        %ge3A = arith.constant 8 : i32
        %ge3A_260 = arith.cmpi sge, %add3A_122, %ge3A : i32
        %convert_element_type3A_261 = arith.extui %ge3A_260 : i1 to i32
        %cond3A_262 = arith.constant 0 : i32
        %cond3A_263 = arith.cmpi ne, %convert_element_type3A_261, %cond3A_262 : i32
        scf.if %cond3A_263 {
          %sub3A = arith.constant 8 : i32
          %sub3A_270 = arith.subi %add3A_122, %sub3A : i32
          %mul3A_271 = arith.constant 8 : i32
          %mul3A_272 = arith.muli %sub3A_270, %mul3A_271 : i32
          %add3A_273 = arith.addi %mul3A_2, %mul3A_272 : i32
          %dma_wait3A_274 = arith.constant 0 : i32
          %dma_wait3A_275 = tpu.memref_slice %arg4[%add3A_273, %dma_wait3A_274] : memref<16384x1024xf32, #tpu.memory_space<hbm>> -> memref<8x1024xf32, #tpu.memory_space<hbm>>
          %dma_wait3A_276 = arith.constant 0 : i32
          %dma_wait3A_277 = tpu.memref_slice %arg4[%add3A_273, %dma_wait3A_276] : memref<16384x1024xf32, #tpu.memory_space<hbm>> -> memref<8x1024xf32, #tpu.memory_space<hbm>>
          tpu.wait_dma2 semaphore(%arg29 : memref<!tpu.dma_semaphore, #tpu.memory_space<semaphore_mem>>) src(%arg13 : memref<8x1024xf32, #tpu.memory_space<vmem>>) dst(%dma_wait3A_277 : memref<8x1024xf32, #tpu.memory_space<hbm>>)
        } else {
        }
        %mul3A_264 = arith.constant 8 : i32
        %mul3A_265 = arith.muli %add3A_122, %mul3A_264 : i32
        %dma_start3A_266 = tpu.memref_slice %arg5[%mul3A_265] : memref<512xi32, #tpu.memory_space<vmem>> -> memref<8xi32, #tpu.memory_space<vmem>>
        %dma_start3A_267 = arith.constant 0 : i32
        %dma_start3A_268 = arith.constant 0 : i32
        %dma_start3A_269 = tpu.memref_slice %arg2[%dma_start3A_267, %dma_start3A_268] : memref<100000x1024xf32, #tpu.memory_space<hbm>> -> memref<100000x1024xf32, #tpu.memory_space<hbm>>
        tpu.enqueue_indirect_dma source(%dma_start3A_269 : memref<100000x1024xf32, #tpu.memory_space<hbm>>) target(%arg13 : memref<8x1024xf32, #tpu.memory_space<vmem>>) offsets(%dma_start3A_266 : memref<8xi32, #tpu.memory_space<vmem>>) semaphore(%arg21 : memref<!tpu.dma_semaphore, #tpu.memory_space<semaphore_mem>>)
      } else {
      }
      %add3A_128 = arith.constant 2 : i32
      %add3A_129 = arith.addi %mul3A_86, %add3A_128 : i32
      %mul3A_130 = arith.constant 8 : i32
      %mul3A_131 = arith.muli %add3A_129, %mul3A_130 : i32
      %dma_wait3A_132 = tpu.memref_slice %arg5[%mul3A_131] : memref<512xi32, #tpu.memory_space<vmem>> -> memref<8xi32, #tpu.memory_space<vmem>>
      %dma_wait3A_133 = arith.constant 0 : i32
      %dma_wait3A_134 = arith.constant 0 : i32
      %dma_wait3A_135 = tpu.memref_slice %arg2[%dma_wait3A_133, %dma_wait3A_134] : memref<100000x1024xf32, #tpu.memory_space<hbm>> -> memref<100000x1024xf32, #tpu.memory_space<hbm>>
      tpu.wait_indirect_dma semaphore(%arg16 : memref<!tpu.dma_semaphore, #tpu.memory_space<semaphore_mem>>) src(%dma_wait3A_135 : memref<100000x1024xf32, #tpu.memory_space<hbm>>) dst(%arg8 : memref<8x1024xf32, #tpu.memory_space<vmem>>)
      %mul3A_136 = arith.constant 8 : i32
      %mul3A_137 = arith.muli %add3A_129, %mul3A_136 : i32
      %add3A_138 = arith.addi %mul3A_2, %mul3A_137 : i32
      %dma_start3A_139 = arith.constant 0 : i32
      %dma_start3A_140 = tpu.memref_slice %arg4[%add3A_138, %dma_start3A_139] : memref<16384x1024xf32, #tpu.memory_space<hbm>> -> memref<8x1024xf32, #tpu.memory_space<hbm>>
      %dma_start3A_141 = arith.constant 0 : i32
      %dma_start3A_142 = tpu.memref_slice %arg4[%add3A_138, %dma_start3A_141] : memref<16384x1024xf32, #tpu.memory_space<hbm>> -> memref<8x1024xf32, #tpu.memory_space<hbm>>
      tpu.enqueue_dma source(%arg8 : memref<8x1024xf32, #tpu.memory_space<vmem>>) target(%dma_start3A_142 : memref<8x1024xf32, #tpu.memory_space<hbm>>) target_semaphore(%arg24 : memref<!tpu.dma_semaphore, #tpu.memory_space<semaphore_mem>>)
      %add3A_143 = arith.constant 6 : i32
      %add3A_144 = arith.addi %add3A_129, %add3A_143 : i32
      %lt3A_145 = arith.constant 64 : i32
      %lt3A_146 = arith.cmpi slt, %add3A_144, %lt3A_145 : i32
      %convert_element_type3A_147 = arith.extui %lt3A_146 : i1 to i32
      %cond3A_148 = arith.constant 0 : i32
      %cond3A_149 = arith.cmpi ne, %convert_element_type3A_147, %cond3A_148 : i32
      scf.if %cond3A_149 {
        %ge3A = arith.constant 8 : i32
        %ge3A_260 = arith.cmpi sge, %add3A_144, %ge3A : i32
        %convert_element_type3A_261 = arith.extui %ge3A_260 : i1 to i32
        %cond3A_262 = arith.constant 0 : i32
        %cond3A_263 = arith.cmpi ne, %convert_element_type3A_261, %cond3A_262 : i32
        scf.if %cond3A_263 {
          %sub3A = arith.constant 8 : i32
          %sub3A_270 = arith.subi %add3A_144, %sub3A : i32
          %mul3A_271 = arith.constant 8 : i32
          %mul3A_272 = arith.muli %sub3A_270, %mul3A_271 : i32
          %add3A_273 = arith.addi %mul3A_2, %mul3A_272 : i32
          %dma_wait3A_274 = arith.constant 0 : i32
          %dma_wait3A_275 = tpu.memref_slice %arg4[%add3A_273, %dma_wait3A_274] : memref<16384x1024xf32, #tpu.memory_space<hbm>> -> memref<8x1024xf32, #tpu.memory_space<hbm>>
          %dma_wait3A_276 = arith.constant 0 : i32
          %dma_wait3A_277 = tpu.memref_slice %arg4[%add3A_273, %dma_wait3A_276] : memref<16384x1024xf32, #tpu.memory_space<hbm>> -> memref<8x1024xf32, #tpu.memory_space<hbm>>
          tpu.wait_dma2 semaphore(%arg22 : memref<!tpu.dma_semaphore, #tpu.memory_space<semaphore_mem>>) src(%arg6 : memref<8x1024xf32, #tpu.memory_space<vmem>>) dst(%dma_wait3A_277 : memref<8x1024xf32, #tpu.memory_space<hbm>>)
        } else {
        }
        %mul3A_264 = arith.constant 8 : i32
        %mul3A_265 = arith.muli %add3A_144, %mul3A_264 : i32
        %dma_start3A_266 = tpu.memref_slice %arg5[%mul3A_265] : memref<512xi32, #tpu.memory_space<vmem>> -> memref<8xi32, #tpu.memory_space<vmem>>
        %dma_start3A_267 = arith.constant 0 : i32
        %dma_start3A_268 = arith.constant 0 : i32
        %dma_start3A_269 = tpu.memref_slice %arg2[%dma_start3A_267, %dma_start3A_268] : memref<100000x1024xf32, #tpu.memory_space<hbm>> -> memref<100000x1024xf32, #tpu.memory_space<hbm>>
        tpu.enqueue_indirect_dma source(%dma_start3A_269 : memref<100000x1024xf32, #tpu.memory_space<hbm>>) target(%arg6 : memref<8x1024xf32, #tpu.memory_space<vmem>>) offsets(%dma_start3A_266 : memref<8xi32, #tpu.memory_space<vmem>>) semaphore(%arg14 : memref<!tpu.dma_semaphore, #tpu.memory_space<semaphore_mem>>)
      } else {
      }
      %add3A_150 = arith.constant 3 : i32
      %add3A_151 = arith.addi %mul3A_86, %add3A_150 : i32
      %mul3A_152 = arith.constant 8 : i32
      %mul3A_153 = arith.muli %add3A_151, %mul3A_152 : i32
      %dma_wait3A_154 = tpu.memref_slice %arg5[%mul3A_153] : memref<512xi32, #tpu.memory_space<vmem>> -> memref<8xi32, #tpu.memory_space<vmem>>
      %dma_wait3A_155 = arith.constant 0 : i32
      %dma_wait3A_156 = arith.constant 0 : i32
      %dma_wait3A_157 = tpu.memref_slice %arg2[%dma_wait3A_155, %dma_wait3A_156] : memref<100000x1024xf32, #tpu.memory_space<hbm>> -> memref<100000x1024xf32, #tpu.memory_space<hbm>>
      tpu.wait_indirect_dma semaphore(%arg17 : memref<!tpu.dma_semaphore, #tpu.memory_space<semaphore_mem>>) src(%dma_wait3A_157 : memref<100000x1024xf32, #tpu.memory_space<hbm>>) dst(%arg9 : memref<8x1024xf32, #tpu.memory_space<vmem>>)
      %mul3A_158 = arith.constant 8 : i32
      %mul3A_159 = arith.muli %add3A_151, %mul3A_158 : i32
      %add3A_160 = arith.addi %mul3A_2, %mul3A_159 : i32
      %dma_start3A_161 = arith.constant 0 : i32
      %dma_start3A_162 = tpu.memref_slice %arg4[%add3A_160, %dma_start3A_161] : memref<16384x1024xf32, #tpu.memory_space<hbm>> -> memref<8x1024xf32, #tpu.memory_space<hbm>>
      %dma_start3A_163 = arith.constant 0 : i32
      %dma_start3A_164 = tpu.memref_slice %arg4[%add3A_160, %dma_start3A_163] : memref<16384x1024xf32, #tpu.memory_space<hbm>> -> memref<8x1024xf32, #tpu.memory_space<hbm>>
      tpu.enqueue_dma source(%arg9 : memref<8x1024xf32, #tpu.memory_space<vmem>>) target(%dma_start3A_164 : memref<8x1024xf32, #tpu.memory_space<hbm>>) target_semaphore(%arg25 : memref<!tpu.dma_semaphore, #tpu.memory_space<semaphore_mem>>)
      %add3A_165 = arith.constant 6 : i32
      %add3A_166 = arith.addi %add3A_151, %add3A_165 : i32
      %lt3A_167 = arith.constant 64 : i32
      %lt3A_168 = arith.cmpi slt, %add3A_166, %lt3A_167 : i32
      %convert_element_type3A_169 = arith.extui %lt3A_168 : i1 to i32
      %cond3A_170 = arith.constant 0 : i32
      %cond3A_171 = arith.cmpi ne, %convert_element_type3A_169, %cond3A_170 : i32
      scf.if %cond3A_171 {
        %ge3A = arith.constant 8 : i32
        %ge3A_260 = arith.cmpi sge, %add3A_166, %ge3A : i32
        %convert_element_type3A_261 = arith.extui %ge3A_260 : i1 to i32
        %cond3A_262 = arith.constant 0 : i32
        %cond3A_263 = arith.cmpi ne, %convert_element_type3A_261, %cond3A_262 : i32
        scf.if %cond3A_263 {
          %sub3A = arith.constant 8 : i32
          %sub3A_270 = arith.subi %add3A_166, %sub3A : i32
          %mul3A_271 = arith.constant 8 : i32
          %mul3A_272 = arith.muli %sub3A_270, %mul3A_271 : i32
          %add3A_273 = arith.addi %mul3A_2, %mul3A_272 : i32
          %dma_wait3A_274 = arith.constant 0 : i32
          %dma_wait3A_275 = tpu.memref_slice %arg4[%add3A_273, %dma_wait3A_274] : memref<16384x1024xf32, #tpu.memory_space<hbm>> -> memref<8x1024xf32, #tpu.memory_space<hbm>>
          %dma_wait3A_276 = arith.constant 0 : i32
          %dma_wait3A_277 = tpu.memref_slice %arg4[%add3A_273, %dma_wait3A_276] : memref<16384x1024xf32, #tpu.memory_space<hbm>> -> memref<8x1024xf32, #tpu.memory_space<hbm>>
          tpu.wait_dma2 semaphore(%arg23 : memref<!tpu.dma_semaphore, #tpu.memory_space<semaphore_mem>>) src(%arg7 : memref<8x1024xf32, #tpu.memory_space<vmem>>) dst(%dma_wait3A_277 : memref<8x1024xf32, #tpu.memory_space<hbm>>)
        } else {
        }
        %mul3A_264 = arith.constant 8 : i32
        %mul3A_265 = arith.muli %add3A_166, %mul3A_264 : i32
        %dma_start3A_266 = tpu.memref_slice %arg5[%mul3A_265] : memref<512xi32, #tpu.memory_space<vmem>> -> memref<8xi32, #tpu.memory_space<vmem>>
        %dma_start3A_267 = arith.constant 0 : i32
        %dma_start3A_268 = arith.constant 0 : i32
        %dma_start3A_269 = tpu.memref_slice %arg2[%dma_start3A_267, %dma_start3A_268] : memref<100000x1024xf32, #tpu.memory_space<hbm>> -> memref<100000x1024xf32, #tpu.memory_space<hbm>>
        tpu.enqueue_indirect_dma source(%dma_start3A_269 : memref<100000x1024xf32, #tpu.memory_space<hbm>>) target(%arg7 : memref<8x1024xf32, #tpu.memory_space<vmem>>) offsets(%dma_start3A_266 : memref<8xi32, #tpu.memory_space<vmem>>) semaphore(%arg15 : memref<!tpu.dma_semaphore, #tpu.memory_space<semaphore_mem>>)
      } else {
      }
      %add3A_172 = arith.constant 4 : i32
      %add3A_173 = arith.addi %mul3A_86, %add3A_172 : i32
      %mul3A_174 = arith.constant 8 : i32
      %mul3A_175 = arith.muli %add3A_173, %mul3A_174 : i32
      %dma_wait3A_176 = tpu.memref_slice %arg5[%mul3A_175] : memref<512xi32, #tpu.memory_space<vmem>> -> memref<8xi32, #tpu.memory_space<vmem>>
      %dma_wait3A_177 = arith.constant 0 : i32
      %dma_wait3A_178 = arith.constant 0 : i32
      %dma_wait3A_179 = tpu.memref_slice %arg2[%dma_wait3A_177, %dma_wait3A_178] : memref<100000x1024xf32, #tpu.memory_space<hbm>> -> memref<100000x1024xf32, #tpu.memory_space<hbm>>
      tpu.wait_indirect_dma semaphore(%arg18 : memref<!tpu.dma_semaphore, #tpu.memory_space<semaphore_mem>>) src(%dma_wait3A_179 : memref<100000x1024xf32, #tpu.memory_space<hbm>>) dst(%arg10 : memref<8x1024xf32, #tpu.memory_space<vmem>>)
      %mul3A_180 = arith.constant 8 : i32
      %mul3A_181 = arith.muli %add3A_173, %mul3A_180 : i32
      %add3A_182 = arith.addi %mul3A_2, %mul3A_181 : i32
      %dma_start3A_183 = arith.constant 0 : i32
      %dma_start3A_184 = tpu.memref_slice %arg4[%add3A_182, %dma_start3A_183] : memref<16384x1024xf32, #tpu.memory_space<hbm>> -> memref<8x1024xf32, #tpu.memory_space<hbm>>
      %dma_start3A_185 = arith.constant 0 : i32
      %dma_start3A_186 = tpu.memref_slice %arg4[%add3A_182, %dma_start3A_185] : memref<16384x1024xf32, #tpu.memory_space<hbm>> -> memref<8x1024xf32, #tpu.memory_space<hbm>>
      tpu.enqueue_dma source(%arg10 : memref<8x1024xf32, #tpu.memory_space<vmem>>) target(%dma_start3A_186 : memref<8x1024xf32, #tpu.memory_space<hbm>>) target_semaphore(%arg26 : memref<!tpu.dma_semaphore, #tpu.memory_space<semaphore_mem>>)
      %add3A_187 = arith.constant 6 : i32
      %add3A_188 = arith.addi %add3A_173, %add3A_187 : i32
      %lt3A_189 = arith.constant 64 : i32
      %lt3A_190 = arith.cmpi slt, %add3A_188, %lt3A_189 : i32
      %convert_element_type3A_191 = arith.extui %lt3A_190 : i1 to i32
      %cond3A_192 = arith.constant 0 : i32
      %cond3A_193 = arith.cmpi ne, %convert_element_type3A_191, %cond3A_192 : i32
      scf.if %cond3A_193 {
        %ge3A = arith.constant 8 : i32
        %ge3A_260 = arith.cmpi sge, %add3A_188, %ge3A : i32
        %convert_element_type3A_261 = arith.extui %ge3A_260 : i1 to i32
        %cond3A_262 = arith.constant 0 : i32
        %cond3A_263 = arith.cmpi ne, %convert_element_type3A_261, %cond3A_262 : i32
        scf.if %cond3A_263 {
          %sub3A = arith.constant 8 : i32
          %sub3A_270 = arith.subi %add3A_188, %sub3A : i32
          %mul3A_271 = arith.constant 8 : i32
          %mul3A_272 = arith.muli %sub3A_270, %mul3A_271 : i32
          %add3A_273 = arith.addi %mul3A_2, %mul3A_272 : i32
          %dma_wait3A_274 = arith.constant 0 : i32
          %dma_wait3A_275 = tpu.memref_slice %arg4[%add3A_273, %dma_wait3A_274] : memref<16384x1024xf32, #tpu.memory_space<hbm>> -> memref<8x1024xf32, #tpu.memory_space<hbm>>
          %dma_wait3A_276 = arith.constant 0 : i32
          %dma_wait3A_277 = tpu.memref_slice %arg4[%add3A_273, %dma_wait3A_276] : memref<16384x1024xf32, #tpu.memory_space<hbm>> -> memref<8x1024xf32, #tpu.memory_space<hbm>>
          tpu.wait_dma2 semaphore(%arg24 : memref<!tpu.dma_semaphore, #tpu.memory_space<semaphore_mem>>) src(%arg8 : memref<8x1024xf32, #tpu.memory_space<vmem>>) dst(%dma_wait3A_277 : memref<8x1024xf32, #tpu.memory_space<hbm>>)
        } else {
        }
        %mul3A_264 = arith.constant 8 : i32
        %mul3A_265 = arith.muli %add3A_188, %mul3A_264 : i32
        %dma_start3A_266 = tpu.memref_slice %arg5[%mul3A_265] : memref<512xi32, #tpu.memory_space<vmem>> -> memref<8xi32, #tpu.memory_space<vmem>>
        %dma_start3A_267 = arith.constant 0 : i32
        %dma_start3A_268 = arith.constant 0 : i32
        %dma_start3A_269 = tpu.memref_slice %arg2[%dma_start3A_267, %dma_start3A_268] : memref<100000x1024xf32, #tpu.memory_space<hbm>> -> memref<100000x1024xf32, #tpu.memory_space<hbm>>
        tpu.enqueue_indirect_dma source(%dma_start3A_269 : memref<100000x1024xf32, #tpu.memory_space<hbm>>) target(%arg8 : memref<8x1024xf32, #tpu.memory_space<vmem>>) offsets(%dma_start3A_266 : memref<8xi32, #tpu.memory_space<vmem>>) semaphore(%arg16 : memref<!tpu.dma_semaphore, #tpu.memory_space<semaphore_mem>>)
      } else {
      }
      %add3A_194 = arith.constant 5 : i32
      %add3A_195 = arith.addi %mul3A_86, %add3A_194 : i32
      %mul3A_196 = arith.constant 8 : i32
      %mul3A_197 = arith.muli %add3A_195, %mul3A_196 : i32
      %dma_wait3A_198 = tpu.memref_slice %arg5[%mul3A_197] : memref<512xi32, #tpu.memory_space<vmem>> -> memref<8xi32, #tpu.memory_space<vmem>>
      %dma_wait3A_199 = arith.constant 0 : i32
      %dma_wait3A_200 = arith.constant 0 : i32
      %dma_wait3A_201 = tpu.memref_slice %arg2[%dma_wait3A_199, %dma_wait3A_200] : memref<100000x1024xf32, #tpu.memory_space<hbm>> -> memref<100000x1024xf32, #tpu.memory_space<hbm>>
      tpu.wait_indirect_dma semaphore(%arg19 : memref<!tpu.dma_semaphore, #tpu.memory_space<semaphore_mem>>) src(%dma_wait3A_201 : memref<100000x1024xf32, #tpu.memory_space<hbm>>) dst(%arg11 : memref<8x1024xf32, #tpu.memory_space<vmem>>)
      %mul3A_202 = arith.constant 8 : i32
      %mul3A_203 = arith.muli %add3A_195, %mul3A_202 : i32
      %add3A_204 = arith.addi %mul3A_2, %mul3A_203 : i32
      %dma_start3A_205 = arith.constant 0 : i32
      %dma_start3A_206 = tpu.memref_slice %arg4[%add3A_204, %dma_start3A_205] : memref<16384x1024xf32, #tpu.memory_space<hbm>> -> memref<8x1024xf32, #tpu.memory_space<hbm>>
      %dma_start3A_207 = arith.constant 0 : i32
      %dma_start3A_208 = tpu.memref_slice %arg4[%add3A_204, %dma_start3A_207] : memref<16384x1024xf32, #tpu.memory_space<hbm>> -> memref<8x1024xf32, #tpu.memory_space<hbm>>
      tpu.enqueue_dma source(%arg11 : memref<8x1024xf32, #tpu.memory_space<vmem>>) target(%dma_start3A_208 : memref<8x1024xf32, #tpu.memory_space<hbm>>) target_semaphore(%arg27 : memref<!tpu.dma_semaphore, #tpu.memory_space<semaphore_mem>>)
      %add3A_209 = arith.constant 6 : i32
      %add3A_210 = arith.addi %add3A_195, %add3A_209 : i32
      %lt3A_211 = arith.constant 64 : i32
      %lt3A_212 = arith.cmpi slt, %add3A_210, %lt3A_211 : i32
      %convert_element_type3A_213 = arith.extui %lt3A_212 : i1 to i32
      %cond3A_214 = arith.constant 0 : i32
      %cond3A_215 = arith.cmpi ne, %convert_element_type3A_213, %cond3A_214 : i32
      scf.if %cond3A_215 {
        %ge3A = arith.constant 8 : i32
        %ge3A_260 = arith.cmpi sge, %add3A_210, %ge3A : i32
        %convert_element_type3A_261 = arith.extui %ge3A_260 : i1 to i32
        %cond3A_262 = arith.constant 0 : i32
        %cond3A_263 = arith.cmpi ne, %convert_element_type3A_261, %cond3A_262 : i32
        scf.if %cond3A_263 {
          %sub3A = arith.constant 8 : i32
          %sub3A_270 = arith.subi %add3A_210, %sub3A : i32
          %mul3A_271 = arith.constant 8 : i32
          %mul3A_272 = arith.muli %sub3A_270, %mul3A_271 : i32
          %add3A_273 = arith.addi %mul3A_2, %mul3A_272 : i32
          %dma_wait3A_274 = arith.constant 0 : i32
          %dma_wait3A_275 = tpu.memref_slice %arg4[%add3A_273, %dma_wait3A_274] : memref<16384x1024xf32, #tpu.memory_space<hbm>> -> memref<8x1024xf32, #tpu.memory_space<hbm>>
          %dma_wait3A_276 = arith.constant 0 : i32
          %dma_wait3A_277 = tpu.memref_slice %arg4[%add3A_273, %dma_wait3A_276] : memref<16384x1024xf32, #tpu.memory_space<hbm>> -> memref<8x1024xf32, #tpu.memory_space<hbm>>
          tpu.wait_dma2 semaphore(%arg25 : memref<!tpu.dma_semaphore, #tpu.memory_space<semaphore_mem>>) src(%arg9 : memref<8x1024xf32, #tpu.memory_space<vmem>>) dst(%dma_wait3A_277 : memref<8x1024xf32, #tpu.memory_space<hbm>>)
        } else {
        }
        %mul3A_264 = arith.constant 8 : i32
        %mul3A_265 = arith.muli %add3A_210, %mul3A_264 : i32
        %dma_start3A_266 = tpu.memref_slice %arg5[%mul3A_265] : memref<512xi32, #tpu.memory_space<vmem>> -> memref<8xi32, #tpu.memory_space<vmem>>
        %dma_start3A_267 = arith.constant 0 : i32
        %dma_start3A_268 = arith.constant 0 : i32
        %dma_start3A_269 = tpu.memref_slice %arg2[%dma_start3A_267, %dma_start3A_268] : memref<100000x1024xf32, #tpu.memory_space<hbm>> -> memref<100000x1024xf32, #tpu.memory_space<hbm>>
        tpu.enqueue_indirect_dma source(%dma_start3A_269 : memref<100000x1024xf32, #tpu.memory_space<hbm>>) target(%arg9 : memref<8x1024xf32, #tpu.memory_space<vmem>>) offsets(%dma_start3A_266 : memref<8xi32, #tpu.memory_space<vmem>>) semaphore(%arg17 : memref<!tpu.dma_semaphore, #tpu.memory_space<semaphore_mem>>)
      } else {
      }
      %add3A_216 = arith.constant 6 : i32
      %add3A_217 = arith.addi %mul3A_86, %add3A_216 : i32
      %mul3A_218 = arith.constant 8 : i32
      %mul3A_219 = arith.muli %add3A_217, %mul3A_218 : i32
      %dma_wait3A_220 = tpu.memref_slice %arg5[%mul3A_219] : memref<512xi32, #tpu.memory_space<vmem>> -> memref<8xi32, #tpu.memory_space<vmem>>
      %dma_wait3A_221 = arith.constant 0 : i32
      %dma_wait3A_222 = arith.constant 0 : i32
      %dma_wait3A_223 = tpu.memref_slice %arg2[%dma_wait3A_221, %dma_wait3A_222] : memref<100000x1024xf32, #tpu.memory_space<hbm>> -> memref<100000x1024xf32, #tpu.memory_space<hbm>>
      tpu.wait_indirect_dma semaphore(%arg20 : memref<!tpu.dma_semaphore, #tpu.memory_space<semaphore_mem>>) src(%dma_wait3A_223 : memref<100000x1024xf32, #tpu.memory_space<hbm>>) dst(%arg12 : memref<8x1024xf32, #tpu.memory_space<vmem>>)
      %mul3A_224 = arith.constant 8 : i32
      %mul3A_225 = arith.muli %add3A_217, %mul3A_224 : i32
      %add3A_226 = arith.addi %mul3A_2, %mul3A_225 : i32
      %dma_start3A_227 = arith.constant 0 : i32
      %dma_start3A_228 = tpu.memref_slice %arg4[%add3A_226, %dma_start3A_227] : memref<16384x1024xf32, #tpu.memory_space<hbm>> -> memref<8x1024xf32, #tpu.memory_space<hbm>>
      %dma_start3A_229 = arith.constant 0 : i32
      %dma_start3A_230 = tpu.memref_slice %arg4[%add3A_226, %dma_start3A_229] : memref<16384x1024xf32, #tpu.memory_space<hbm>> -> memref<8x1024xf32, #tpu.memory_space<hbm>>
      tpu.enqueue_dma source(%arg12 : memref<8x1024xf32, #tpu.memory_space<vmem>>) target(%dma_start3A_230 : memref<8x1024xf32, #tpu.memory_space<hbm>>) target_semaphore(%arg28 : memref<!tpu.dma_semaphore, #tpu.memory_space<semaphore_mem>>)
      %add3A_231 = arith.constant 6 : i32
      %add3A_232 = arith.addi %add3A_217, %add3A_231 : i32
      %lt3A_233 = arith.constant 64 : i32
      %lt3A_234 = arith.cmpi slt, %add3A_232, %lt3A_233 : i32
      %convert_element_type3A_235 = arith.extui %lt3A_234 : i1 to i32
      %cond3A_236 = arith.constant 0 : i32
      %cond3A_237 = arith.cmpi ne, %convert_element_type3A_235, %cond3A_236 : i32
      scf.if %cond3A_237 {
        %ge3A = arith.constant 8 : i32
        %ge3A_260 = arith.cmpi sge, %add3A_232, %ge3A : i32
        %convert_element_type3A_261 = arith.extui %ge3A_260 : i1 to i32
        %cond3A_262 = arith.constant 0 : i32
        %cond3A_263 = arith.cmpi ne, %convert_element_type3A_261, %cond3A_262 : i32
        scf.if %cond3A_263 {
          %sub3A = arith.constant 8 : i32
          %sub3A_270 = arith.subi %add3A_232, %sub3A : i32
          %mul3A_271 = arith.constant 8 : i32
          %mul3A_272 = arith.muli %sub3A_270, %mul3A_271 : i32
          %add3A_273 = arith.addi %mul3A_2, %mul3A_272 : i32
          %dma_wait3A_274 = arith.constant 0 : i32
          %dma_wait3A_275 = tpu.memref_slice %arg4[%add3A_273, %dma_wait3A_274] : memref<16384x1024xf32, #tpu.memory_space<hbm>> -> memref<8x1024xf32, #tpu.memory_space<hbm>>
          %dma_wait3A_276 = arith.constant 0 : i32
          %dma_wait3A_277 = tpu.memref_slice %arg4[%add3A_273, %dma_wait3A_276] : memref<16384x1024xf32, #tpu.memory_space<hbm>> -> memref<8x1024xf32, #tpu.memory_space<hbm>>
          tpu.wait_dma2 semaphore(%arg26 : memref<!tpu.dma_semaphore, #tpu.memory_space<semaphore_mem>>) src(%arg10 : memref<8x1024xf32, #tpu.memory_space<vmem>>) dst(%dma_wait3A_277 : memref<8x1024xf32, #tpu.memory_space<hbm>>)
        } else {
        }
        %mul3A_264 = arith.constant 8 : i32
        %mul3A_265 = arith.muli %add3A_232, %mul3A_264 : i32
        %dma_start3A_266 = tpu.memref_slice %arg5[%mul3A_265] : memref<512xi32, #tpu.memory_space<vmem>> -> memref<8xi32, #tpu.memory_space<vmem>>
        %dma_start3A_267 = arith.constant 0 : i32
        %dma_start3A_268 = arith.constant 0 : i32
        %dma_start3A_269 = tpu.memref_slice %arg2[%dma_start3A_267, %dma_start3A_268] : memref<100000x1024xf32, #tpu.memory_space<hbm>> -> memref<100000x1024xf32, #tpu.memory_space<hbm>>
        tpu.enqueue_indirect_dma source(%dma_start3A_269 : memref<100000x1024xf32, #tpu.memory_space<hbm>>) target(%arg10 : memref<8x1024xf32, #tpu.memory_space<vmem>>) offsets(%dma_start3A_266 : memref<8xi32, #tpu.memory_space<vmem>>) semaphore(%arg18 : memref<!tpu.dma_semaphore, #tpu.memory_space<semaphore_mem>>)
      } else {
      }
      %add3A_238 = arith.constant 7 : i32
      %add3A_239 = arith.addi %mul3A_86, %add3A_238 : i32
      %mul3A_240 = arith.constant 8 : i32
      %mul3A_241 = arith.muli %add3A_239, %mul3A_240 : i32
      %dma_wait3A_242 = tpu.memref_slice %arg5[%mul3A_241] : memref<512xi32, #tpu.memory_space<vmem>> -> memref<8xi32, #tpu.memory_space<vmem>>
      %dma_wait3A_243 = arith.constant 0 : i32
      %dma_wait3A_244 = arith.constant 0 : i32
      %dma_wait3A_245 = tpu.memref_slice %arg2[%dma_wait3A_243, %dma_wait3A_244] : memref<100000x1024xf32, #tpu.memory_space<hbm>> -> memref<100000x1024xf32, #tpu.memory_space<hbm>>
      tpu.wait_indirect_dma semaphore(%arg21 : memref<!tpu.dma_semaphore, #tpu.memory_space<semaphore_mem>>) src(%dma_wait3A_245 : memref<100000x1024xf32, #tpu.memory_space<hbm>>) dst(%arg13 : memref<8x1024xf32, #tpu.memory_space<vmem>>)
      %mul3A_246 = arith.constant 8 : i32
      %mul3A_247 = arith.muli %add3A_239, %mul3A_246 : i32
      %add3A_248 = arith.addi %mul3A_2, %mul3A_247 : i32
      %dma_start3A_249 = arith.constant 0 : i32
      %dma_start3A_250 = tpu.memref_slice %arg4[%add3A_248, %dma_start3A_249] : memref<16384x1024xf32, #tpu.memory_space<hbm>> -> memref<8x1024xf32, #tpu.memory_space<hbm>>
      %dma_start3A_251 = arith.constant 0 : i32
      %dma_start3A_252 = tpu.memref_slice %arg4[%add3A_248, %dma_start3A_251] : memref<16384x1024xf32, #tpu.memory_space<hbm>> -> memref<8x1024xf32, #tpu.memory_space<hbm>>
      tpu.enqueue_dma source(%arg13 : memref<8x1024xf32, #tpu.memory_space<vmem>>) target(%dma_start3A_252 : memref<8x1024xf32, #tpu.memory_space<hbm>>) target_semaphore(%arg29 : memref<!tpu.dma_semaphore, #tpu.memory_space<semaphore_mem>>)
      %add3A_253 = arith.constant 6 : i32
      %add3A_254 = arith.addi %add3A_239, %add3A_253 : i32
      %lt3A_255 = arith.constant 64 : i32
      %lt3A_256 = arith.cmpi slt, %add3A_254, %lt3A_255 : i32
      %convert_element_type3A_257 = arith.extui %lt3A_256 : i1 to i32
      %cond3A_258 = arith.constant 0 : i32
      %cond3A_259 = arith.cmpi ne, %convert_element_type3A_257, %cond3A_258 : i32
      scf.if %cond3A_259 {
        %ge3A = arith.constant 8 : i32
        %ge3A_260 = arith.cmpi sge, %add3A_254, %ge3A : i32
        %convert_element_type3A_261 = arith.extui %ge3A_260 : i1 to i32
        %cond3A_262 = arith.constant 0 : i32
        %cond3A_263 = arith.cmpi ne, %convert_element_type3A_261, %cond3A_262 : i32
        scf.if %cond3A_263 {
          %sub3A = arith.constant 8 : i32
          %sub3A_270 = arith.subi %add3A_254, %sub3A : i32
          %mul3A_271 = arith.constant 8 : i32
          %mul3A_272 = arith.muli %sub3A_270, %mul3A_271 : i32
          %add3A_273 = arith.addi %mul3A_2, %mul3A_272 : i32
          %dma_wait3A_274 = arith.constant 0 : i32
          %dma_wait3A_275 = tpu.memref_slice %arg4[%add3A_273, %dma_wait3A_274] : memref<16384x1024xf32, #tpu.memory_space<hbm>> -> memref<8x1024xf32, #tpu.memory_space<hbm>>
          %dma_wait3A_276 = arith.constant 0 : i32
          %dma_wait3A_277 = tpu.memref_slice %arg4[%add3A_273, %dma_wait3A_276] : memref<16384x1024xf32, #tpu.memory_space<hbm>> -> memref<8x1024xf32, #tpu.memory_space<hbm>>
          tpu.wait_dma2 semaphore(%arg27 : memref<!tpu.dma_semaphore, #tpu.memory_space<semaphore_mem>>) src(%arg11 : memref<8x1024xf32, #tpu.memory_space<vmem>>) dst(%dma_wait3A_277 : memref<8x1024xf32, #tpu.memory_space<hbm>>)
        } else {
        }
        %mul3A_264 = arith.constant 8 : i32
        %mul3A_265 = arith.muli %add3A_254, %mul3A_264 : i32
        %dma_start3A_266 = tpu.memref_slice %arg5[%mul3A_265] : memref<512xi32, #tpu.memory_space<vmem>> -> memref<8xi32, #tpu.memory_space<vmem>>
        %dma_start3A_267 = arith.constant 0 : i32
        %dma_start3A_268 = arith.constant 0 : i32
        %dma_start3A_269 = tpu.memref_slice %arg2[%dma_start3A_267, %dma_start3A_268] : memref<100000x1024xf32, #tpu.memory_space<hbm>> -> memref<100000x1024xf32, #tpu.memory_space<hbm>>
        tpu.enqueue_indirect_dma source(%dma_start3A_269 : memref<100000x1024xf32, #tpu.memory_space<hbm>>) target(%arg11 : memref<8x1024xf32, #tpu.memory_space<vmem>>) offsets(%dma_start3A_266 : memref<8xi32, #tpu.memory_space<vmem>>) semaphore(%arg19 : memref<!tpu.dma_semaphore, #tpu.memory_space<semaphore_mem>>)
      } else {
      }
    }
    %scan3A_36 = arith.constant 8 : i32
    %add3A_37 = arith.constant 448 : i32
    %add3A_38 = arith.addi %mul3A_2, %add3A_37 : i32
    %dma_wait3A = arith.constant 0 : i32
    %dma_wait3A_39 = tpu.memref_slice %arg4[%add3A_38, %dma_wait3A] : memref<16384x1024xf32, #tpu.memory_space<hbm>> -> memref<8x1024xf32, #tpu.memory_space<hbm>>
    %dma_wait3A_40 = arith.constant 0 : i32
    %dma_wait3A_41 = tpu.memref_slice %arg4[%add3A_38, %dma_wait3A_40] : memref<16384x1024xf32, #tpu.memory_space<hbm>> -> memref<8x1024xf32, #tpu.memory_space<hbm>>
    tpu.wait_dma2 semaphore(%arg22 : memref<!tpu.dma_semaphore, #tpu.memory_space<semaphore_mem>>) src(%arg6 : memref<8x1024xf32, #tpu.memory_space<vmem>>) dst(%dma_wait3A_41 : memref<8x1024xf32, #tpu.memory_space<hbm>>)
    %add3A_42 = arith.constant 456 : i32
    %add3A_43 = arith.addi %mul3A_2, %add3A_42 : i32
    %dma_wait3A_44 = arith.constant 0 : i32
    %dma_wait3A_45 = tpu.memref_slice %arg4[%add3A_43, %dma_wait3A_44] : memref<16384x1024xf32, #tpu.memory_space<hbm>> -> memref<8x1024xf32, #tpu.memory_space<hbm>>
    %dma_wait3A_46 = arith.constant 0 : i32
    %dma_wait3A_47 = tpu.memref_slice %arg4[%add3A_43, %dma_wait3A_46] : memref<16384x1024xf32, #tpu.memory_space<hbm>> -> memref<8x1024xf32, #tpu.memory_space<hbm>>
    tpu.wait_dma2 semaphore(%arg23 : memref<!tpu.dma_semaphore, #tpu.memory_space<semaphore_mem>>) src(%arg7 : memref<8x1024xf32, #tpu.memory_space<vmem>>) dst(%dma_wait3A_47 : memref<8x1024xf32, #tpu.memory_space<hbm>>)
    %add3A_48 = arith.constant 464 : i32
    %add3A_49 = arith.addi %mul3A_2, %add3A_48 : i32
    %dma_wait3A_50 = arith.constant 0 : i32
    %dma_wait3A_51 = tpu.memref_slice %arg4[%add3A_49, %dma_wait3A_50] : memref<16384x1024xf32, #tpu.memory_space<hbm>> -> memref<8x1024xf32, #tpu.memory_space<hbm>>
    %dma_wait3A_52 = arith.constant 0 : i32
    %dma_wait3A_53 = tpu.memref_slice %arg4[%add3A_49, %dma_wait3A_52] : memref<16384x1024xf32, #tpu.memory_space<hbm>> -> memref<8x1024xf32, #tpu.memory_space<hbm>>
    tpu.wait_dma2 semaphore(%arg24 : memref<!tpu.dma_semaphore, #tpu.memory_space<semaphore_mem>>) src(%arg8 : memref<8x1024xf32, #tpu.memory_space<vmem>>) dst(%dma_wait3A_53 : memref<8x1024xf32, #tpu.memory_space<hbm>>)
    %add3A_54 = arith.constant 472 : i32
    %add3A_55 = arith.addi %mul3A_2, %add3A_54 : i32
    %dma_wait3A_56 = arith.constant 0 : i32
    %dma_wait3A_57 = tpu.memref_slice %arg4[%add3A_55, %dma_wait3A_56] : memref<16384x1024xf32, #tpu.memory_space<hbm>> -> memref<8x1024xf32, #tpu.memory_space<hbm>>
    %dma_wait3A_58 = arith.constant 0 : i32
    %dma_wait3A_59 = tpu.memref_slice %arg4[%add3A_55, %dma_wait3A_58] : memref<16384x1024xf32, #tpu.memory_space<hbm>> -> memref<8x1024xf32, #tpu.memory_space<hbm>>
    tpu.wait_dma2 semaphore(%arg25 : memref<!tpu.dma_semaphore, #tpu.memory_space<semaphore_mem>>) src(%arg9 : memref<8x1024xf32, #tpu.memory_space<vmem>>) dst(%dma_wait3A_59 : memref<8x1024xf32, #tpu.memory_space<hbm>>)
    %add3A_60 = arith.constant 480 : i32
    %add3A_61 = arith.addi %mul3A_2, %add3A_60 : i32
    %dma_wait3A_62 = arith.constant 0 : i32
    %dma_wait3A_63 = tpu.memref_slice %arg4[%add3A_61, %dma_wait3A_62] : memref<16384x1024xf32, #tpu.memory_space<hbm>> -> memref<8x1024xf32, #tpu.memory_space<hbm>>
    %dma_wait3A_64 = arith.constant 0 : i32
    %dma_wait3A_65 = tpu.memref_slice %arg4[%add3A_61, %dma_wait3A_64] : memref<16384x1024xf32, #tpu.memory_space<hbm>> -> memref<8x1024xf32, #tpu.memory_space<hbm>>
    tpu.wait_dma2 semaphore(%arg26 : memref<!tpu.dma_semaphore, #tpu.memory_space<semaphore_mem>>) src(%arg10 : memref<8x1024xf32, #tpu.memory_space<vmem>>) dst(%dma_wait3A_65 : memref<8x1024xf32, #tpu.memory_space<hbm>>)
    %add3A_66 = arith.constant 488 : i32
    %add3A_67 = arith.addi %mul3A_2, %add3A_66 : i32
    %dma_wait3A_68 = arith.constant 0 : i32
    %dma_wait3A_69 = tpu.memref_slice %arg4[%add3A_67, %dma_wait3A_68] : memref<16384x1024xf32, #tpu.memory_space<hbm>> -> memref<8x1024xf32, #tpu.memory_space<hbm>>
    %dma_wait3A_70 = arith.constant 0 : i32
    %dma_wait3A_71 = tpu.memref_slice %arg4[%add3A_67, %dma_wait3A_70] : memref<16384x1024xf32, #tpu.memory_space<hbm>> -> memref<8x1024xf32, #tpu.memory_space<hbm>>
    tpu.wait_dma2 semaphore(%arg27 : memref<!tpu.dma_semaphore, #tpu.memory_space<semaphore_mem>>) src(%arg11 : memref<8x1024xf32, #tpu.memory_space<vmem>>) dst(%dma_wait3A_71 : memref<8x1024xf32, #tpu.memory_space<hbm>>)
    %add3A_72 = arith.constant 496 : i32
    %add3A_73 = arith.addi %mul3A_2, %add3A_72 : i32
    %dma_wait3A_74 = arith.constant 0 : i32
    %dma_wait3A_75 = tpu.memref_slice %arg4[%add3A_73, %dma_wait3A_74] : memref<16384x1024xf32, #tpu.memory_space<hbm>> -> memref<8x1024xf32, #tpu.memory_space<hbm>>
    %dma_wait3A_76 = arith.constant 0 : i32
    %dma_wait3A_77 = tpu.memref_slice %arg4[%add3A_73, %dma_wait3A_76] : memref<16384x1024xf32, #tpu.memory_space<hbm>> -> memref<8x1024xf32, #tpu.memory_space<hbm>>
    tpu.wait_dma2 semaphore(%arg28 : memref<!tpu.dma_semaphore, #tpu.memory_space<semaphore_mem>>) src(%arg12 : memref<8x1024xf32, #tpu.memory_space<vmem>>) dst(%dma_wait3A_77 : memref<8x1024xf32, #tpu.memory_space<hbm>>)
    %add3A_78 = arith.constant 504 : i32
    %add3A_79 = arith.addi %mul3A_2, %add3A_78 : i32
    %dma_wait3A_80 = arith.constant 0 : i32
    %dma_wait3A_81 = tpu.memref_slice %arg4[%add3A_79, %dma_wait3A_80] : memref<16384x1024xf32, #tpu.memory_space<hbm>> -> memref<8x1024xf32, #tpu.memory_space<hbm>>
    %dma_wait3A_82 = arith.constant 0 : i32
    %dma_wait3A_83 = tpu.memref_slice %arg4[%add3A_79, %dma_wait3A_82] : memref<16384x1024xf32, #tpu.memory_space<hbm>> -> memref<8x1024xf32, #tpu.memory_space<hbm>>
    tpu.wait_dma2 semaphore(%arg29 : memref<!tpu.dma_semaphore, #tpu.memory_space<semaphore_mem>>) src(%arg13 : memref<8x1024xf32, #tpu.memory_space<vmem>>) dst(%dma_wait3A_83 : memref<8x1024xf32, #tpu.memory_space<hbm>>)
    return
  }
}

</mosaic_0001>

<sc_bundles>
// kernel: kernel.3.cloned.1.call-start
scs
__scs_entry_jumppad:
0x0: {  	(pc) =	sbr.rel $0x88, $3  }
0x1: {  	(tag) =	ssettag $0x0;
	lr =	simm.s32 $0x1  }
0x2: {  	[smem:$0x3F9F] =	sst lr;
	_ =	strace $0xD0000000  }
0x3: {  	_ = 	snop  }
0x4: {  	_ = 	snop  }
0x5: {  	_ = 	snop  }
0x6: {  	_ = 	snop  }
0x7: {  	_ = 	snop  }
__scs_overlays_trampoline_lowered:
0x8: {  	[smem:$0x3FAE] =	sst s0  }
0x9: {  	[smem:$0x3FAF] =	sst s1  }
0xa: {  	[smem:$0x3FB0] =	sst s2  }
0xb: {  	[smem:$0x3FB1] =	sst s3  }
0xc: {  	[smem:$0x3FB2] =	sst s4  }
0xd: {  	[smem:$0x3FB3] =	sst s5  }
0xe: {  	[smem:$0x3FB4] =	sst s6  }
0xf: {  	[smem:$0x3FB5] =	sst s7  }
0x10: {  	[smem:$0x3FB6] =	sst s8  }
0x11: {  	[smem:$0x3FB7] =	sst s9;
	s0 =	simm.s32 @!p0 $0x0  }
0x12: {  	s1 =	sld [smem:$0x3F9D];
	s0 =	simm.s32 @p0 $0x1  }
0x13: {  	[smem:$0x3FB8] =	sst s0;
	s0 =	simm.s32 @!p1 $0x0  }
0x14: {  	s2 =	sld [smem:$0x3F9C];
	s0 =	simm.s32 @p1 $0x1  }
0x15: {  	[smem:$0x3FB9] =	sst s0;
	s0 =	simm.s32 @!p2 $0x0  }
0x16: {  	s3 =	sld [smem:$0x3FDB];
	s0 =	simm.s32 @p2 $0x1  }
0x17: {  	s4 =	simm.s32 $0x1BF5;
	[smem:$0x3FBB] =	sst s0  }
0x18: {  	s0 =	sld [smem:$0x3F9E];
	_ =	swait.ge [sflag:s4], $0x0  }
0x19: {  	s7 =	sld [smem:$0x3F9F]  }
0x1a: {  	s8 =	sadd.s32 $0xFFFFE003, lr  }
0x1b: {  	s9 =	sadd.s32 $0xFFFFFEF7, lr;
	s5 =	simm.s32 $0xFFFFFFFF;
	p2 =	slt.u32 s8, $0xFFFFF086  }
0x1c: {  	p1 =	slt.u32 s9, $0xF7A;
	s5 =	simm.s32 @!p2 $0x0  }
0x1d: {  	s5 =	simm.s32 @p1 $0x1;
	p0 =	seq.s32 s7, s2  }
0x1e: {  	s7 =	smul.u32 @!p0 $0xF7A, s2;
	p2 =	seq.s32 @!p0 s5, $0x0  }
0x1f: {  	s9 =	smul.u32 $0xF7A, s1;
	s8 =	simm.s32 @!p0 $0x1BF5;
	p2 =	por !p2, p0  }
0x20: {  	[sflag:s8] =	ssyncset.s32 @!p0 $0xFFFFF086;
	s6 =	sadd.s32 @!p0 s3, s7;
	s7 =	simm.s32 @!p0 $0x108  }
0x21: {  	s3 =	sadd.s32 s3, s9;
	s6 =	sadd.s32 @!p0 $0x88, s6;
	s7 =	simm.s32 @p2 $0x1082  }
0x22: {  	[simem:s7], [sflag:s8] =	dma.local @!p0 [hbm:s6], $0xF7A  }
0x23: {  	s9 =	sor.u32 $0xD0000000, s2;
	s6 =	simm.s32 $0x108;
	_ =	swait.ge @!p0 [sflag:s8], $0x0  }
0x24: {  	s3 =	sadd.s32 $0x88, s3;
	s6 =	simm.s32 @!p1 $0x1082;
	[sflag:s4] =	ssyncset.s32 $0xFFFFF086  }
0x25: {  	[simem:s6], [sflag:s4] =	dma.local [hbm:s3], $0xF7A  }
0x26: {  	[smem:$0x3F9F] =	sst s1;
	(tag) =	ssettag s2;
	_ =	strace s9  }
0x27: {  	s1 =	sld [smem:$0x3FAF]  }
0x28: {  	s2 =	sld [smem:$0x3FB0]  }
0x29: {  	s4 =	sld [smem:$0x3FB2]  }
0x2a: {  	p0 =	seq.s32 s5, $0x0;
	s5 =	sld [smem:$0x3FB3]  }
0x2b: {  	s6 =	sld [smem:$0x3FB4]  }
0x2c: {  	s7 =	sld [smem:$0x3FB5]  }
0x2d: {  	s3 =	simm.s32 $0x108;
	s8 =	sld [smem:$0x3FB6]  }
0x2e: {  	s3 =	simm.s32 @!p0 $0x1082;
	s9 =	sld [smem:$0x3FB7]  }
0x2f: {  	lr =	sadd.s32 s0, s3;
	s0 =	sld [smem:$0x3FAE]  }
0x30: {  	s3 =	sld [smem:$0x3FB1]  }
0x31: {  	[smem:$0x3FBA] =	sst s10  }
0x32: {  	s10 =	sld [smem:$0x3FB8];
	_ =	sdelay $0x3  }
0x33: {  	p0 =	seq.s32 s10, $0x1;
	s10 =	sld [smem:$0x3FBA];
	_ =	sdelay $0x3  }
0x34: {  	[smem:$0x3FBA] =	sst s10  }
0x35: {  	s10 =	sld [smem:$0x3FB9];
	_ =	sdelay $0x3  }
0x36: {  	p1 =	seq.s32 s10, $0x1;
	s10 =	sld [smem:$0x3FBA];
	_ =	sdelay $0x3  }
0x37: {  	[smem:$0x3FBA] =	sst s10  }
0x38: {  	s10 =	sld [smem:$0x3FBB]  }
0x39: {  	_ = 	snop;
	(pc) =	sbr.ind lr, $3  }
0x3a: {  	_ = 	snop  }
0x3b: {  	_ = 	snop  }
0x3c: {  	p2 =	seq.s32 s10, $0x1;
	s10 =	sld [smem:$0x3FBA]  }
0x3d: {  	_ =	shalt  }
0x3e: {  	_ =	shalt  }
0x3f: {  	_ =	shalt  }
0x40: {  	_ =	shalt  }
0x41: {  	_ =	shalt  }
0x42: {  	_ =	shalt  }
0x43: {  	_ =	shalt  }
0x44: {  	_ =	shalt  }
0x45: {  	_ =	shalt  }
0x46: {  	_ =	shalt  }
0x47: {  	_ =	shalt  }
0x48: {  	_ =	shalt  }
0x49: {  	_ =	shalt  }
0x4a: {  	_ =	shalt  }
0x4b: {  	_ =	shalt  }
0x4c: {  	_ =	shalt  }
0x4d: {  	_ =	shalt  }
0x4e: {  	_ =	shalt  }
0x4f: {  	_ =	shalt  }
0x50: {  	_ =	shalt  }
0x51: {  	_ =	shalt  }
0x52: {  	_ =	shalt  }
0x53: {  	_ =	shalt  }
0x54: {  	_ =	shalt  }
0x55: {  	_ =	shalt  }
0x56: {  	_ =	shalt  }
0x57: {  	_ =	shalt  }
0x58: {  	_ =	shalt  }
0x59: {  	_ =	shalt  }
0x5a: {  	_ =	shalt  }
0x5b: {  	_ =	shalt  }
0x5c: {  	_ =	shalt  }
0x5d: {  	_ =	shalt  }
0x5e: {  	_ =	shalt  }
0x5f: {  	_ =	shalt  }
0x60: {  	_ =	shalt  }
0x61: {  	_ =	shalt  }
0x62: {  	_ =	shalt  }
0x63: {  	_ =	shalt  }
0x64: {  	_ =	shalt  }
0x65: {  	_ =	shalt  }
0x66: {  	_ =	shalt  }
0x67: {  	_ =	shalt  }
0x68: {  	_ =	shalt  }
0x69: {  	_ =	shalt  }
0x6a: {  	_ =	shalt  }
0x6b: {  	_ =	shalt  }
0x6c: {  	_ =	shalt  }
0x6d: {  	_ =	shalt  }
0x6e: {  	_ =	shalt  }
0x6f: {  	_ =	shalt  }
0x70: {  	_ =	shalt  }
0x71: {  	_ =	shalt  }
0x72: {  	_ =	shalt  }
0x73: {  	_ =	shalt  }
0x74: {  	_ =	shalt  }
0x75: {  	_ =	shalt  }
0x76: {  	_ =	shalt  }
0x77: {  	_ =	shalt  }
0x78: {  	_ =	shalt  }
0x79: {  	_ =	shalt  }
0x7a: {  	_ =	shalt  }
0x7b: {  	_ =	shalt  }
0x7c: {  	_ =	shalt  }
0x7d: {  	_ =	shalt  }
0x7e: {  	_ =	shalt  }
0x7f: {  	_ =	shalt  }
0x80: {  	_ =	shalt  }
0x81: {  	_ =	shalt  }
0x82: {  	_ =	shalt  }
0x83: {  	_ =	shalt  }
0x84: {  	_ =	shalt  }
0x85: {  	_ =	shalt  }
0x86: {  	_ =	shalt  }
0x87: {  	_ =	shalt  }
.Lfunc_end0:
.L_simem_size_0:
called_computation_lowered:
.L_overlay_start_0:
0x88: {  	s2 =	sld [smem:$0x3FD9]  }
0x89: {  	s3 =	sld [smem:$0x3FFE];
	_ =	sdelay $0x1  }
0x8a: {  	s1 =	srdreg.scid  }
0x8b: {  	s0 =	sand.u32 $0x1, s1  }
0x8c: {  	s17 =	sshll.u32 s0, $0xA;
	s2 =	sadd.s32 s3, s2  }
0x8d: {  	s2 =	sadd.s32 s2, s17  }
0x8e: {  	[smem:$0x3FC6] =	sst s2  }
0x8f: {  	_ = 	snop  }
0x90: {  	s2 =	sld [smem:$0x3FC8]  }
0x91: {  	s18 =	sld [smem:$0x3FD0];
	(tm) =	ssettm $0x1  }
0x92: {  	s4 =	sld [smem:$0x3FFB];
	_ =	sdelay $0x3  }
0x93: {  	_ =	strace s4  }
0x94: {  	s4 =	sld [smem:$0x3FFC];
	_ =	sdelay $0x3  }
0x95: {  	_ =	strace s4  }
0x96: {  	s4 =	sld [smem:$0x3FFD];
	_ =	sdelay $0x3  }
0x97: {  	_ =	strace s4  }
0x98: {  	_ =	strace $0x8FFFFFFF  }
0x99: {  	s19 =	sld [smem:$0x3FDB];
	_ =	sdelay $0x1  }
0x9a: {  	s5 =	simm.s32 $_scs_section_size  }
0x9b: {  	s6 =	simm.s32 $_size__tile_overlayer_lowered;
	s7 =	simm.s32 $_tile_overlayer_lowered  }
0x9c: {  	s22 =	simm.s32 $0x1BFF;
	s21 =	sshll.u32 s7, $0x1;
	s4 =	sadd.s32 s5, s19  }
0x9d: {  	s8 =	simm.s32 $0x0;
	s20 =	sshll.u32 s6, $0x1;
	s6 =	sadd.s32 s21, s4  }
0x9e: {  	[timem:s8], [sflag:s22] =	dma.local [hbm:s6], s20  }
0x9f: {  	_ =	swait.ge [sflag:s22], s20  }
0xa0: {  	s5 =	ssub.s32 $0x0, s20;
	[sflag:s22] =	ssyncset.done $0x0  }
0xa1: {  	[sflag:s22] =	ssyncadd.s32 s5;
	_ =	sdelay $0x1  }
0xa2: {  	s23 =	simm.s32 $0x1B8B  }
0xa3: {  	_ =	swait.ge [sflag:s23], $0x1  }
0xa4: {  	[sflag:s23] =	ssyncset.done $0x0  }
0xa5: {  	s25 =	simm.s32 $0x1B8E;
	s24 =	sld [smem:$0x3FFE];
	[sflag:s23] =	ssyncadd.s32 $0xFFFFFFFF  }
0xa6: {  	s26 =	simm.s32 $execute0_lowered;
	[smem:$0x3FD2] =	sst s25  }
0xa7: {  	s6 =	sshll.u32 s26, $0x1;
	_ =	strace $0x80000046;
	[dreg:$0x1] =	wrdreg $0xFFFFFFFF  }
0xa8: {  	s28 =	simm.s32 $_size_execute0_lowered;
	s4 =	sadd.s32 s4, s6;
	[dreg:$0x0] =	wrdreg $0x0  }
0xa9: {  	s6 =	sshll.u32 s28, $0x1;
	[dreg:$0x2] =	wrdreg s4  }
0xaa: {  	[dreg:$0x3] =	wrdreg s6  }
0xab: {  	[dreg:$0x4] =	wrdreg $0xC0  }
0xac: {  	_ =	task [dreg:s8], $0x5FFFF  }
0xad: {  	[dreg:$0x1] =	wrdreg $0xFFFFFFFF  }
0xae: {  	[dreg:$0x0] =	wrdreg $0x60  }
0xaf: {  	[dreg:$0x2] =	wrdreg s2  }
0xb0: {  	[dreg:$0x3] =	wrdreg s24  }
0xb1: {  	[dreg:$0x4] =	wrdreg s18  }
0xb2: {  	[dreg:$0x5] =	wrdreg $0x9  }
0xb3: {  	_ =	task.clear_ibuf [dreg:s8], $0x6FFFF;
	_ =	strace $0x90000046  }
0xb4: {  	s29 =	simm.s32 $0x9;
	_ =	strace $0x80000048  }
0xb5: {  	_ =	swait.ge [sflag:s29], $0x1  }
0xb6: {  	[sflag:s29] =	ssyncadd.s32 $0xFFFFFFFF  }
0xb7: {  	_ =	strace $0x90000048  }
0xb8: {  	_ =	sfence  }
0xb9: {  	s30 =	sld [smem:$0x0];
	_ =	sdelay $0x2  }
0xba: {  	s31 =	sshll.u32 s1, $0xD;
	s1 =	sshrl.u32 s1, $0x2  }
0xbb: {  	s3 =	sand.u32 $0x4000, s31;
	s1 =	sadd.s32 s1, s30  }
0xbc: {  	s0 =	sor.u32 s3, s0;
	s1 =	sshll.u32 s1, $0x11  }
0xbd: {  	s0 =	sor.u32 s1, s0  }
0xbe: {  	s0 =	sadd.s32 $0x8F2B, s0  }
0xbf: {  	[sflag:s0] =	ssyncadd.remote.s32 $0x1  }
0xc0: {  	_ =	sfence.sel $0xFFFF  }
0xc1: {  	[dreg:$0x0] =	wrdreg $0xFFFFFFFF;
	(pc) =	sbr.abs _section_cstart, $3  }
0xc2: {  	[dreg:$0x1] =	wrdreg $0xFFFFFFFF  }
0xc3: {  	_ =	task.clear_ibuf [dreg:s8], $0x2FFFF;
	_ =	strace $0x9FFFFFFF  }
0xc4: {  	(tm) =	ssettm $0x7FFFFFFF  }
0xc5: {  	_ =	shalt  }
tec
execute0_lowered:
.L_overlay_start_1:
0x0: {  	(tag) =	ssettag $0x1  }
0x1: {  	s1 =	rddreg [dreg:$0x0]  }
0x2: {  	s0 =	srdreg.scid;
	s2 =	rddreg [dreg:$0x1]  }
0x3: {  	s9 =	stileid.u32;
	s4 =	rddreg [dreg:$0x2];
	s31 =	simm.s32 $0x8200  }
0x4: {  	s16 =	simm.s32 $0xA200;
	s21 =	simm.s32 $0x1;
	s29 =	simm.s32 $0x2  }
0x5: {  	s30 =	simm.s32 $0xE200;
	s13 =	simm.s32 $0x3;
	s14 =	simm.s32 $0x4  }
0x6: {  	s18 =	simm.s32 $0x5;
	s15 =	simm.s32 $0x8;
	s17 =	simm.s32 $0xE  }
0x7: {  	s28 =	simm.s32 $0x6200;
	s0 =	sand.u32 $0x1, s0;
	s3 =	sshll.u32 s9, $0xA  }
0x8: {  	s25 =	sshll.u32 s9, $0x11;
	s9 =	simm.s32 $0xFA00;
	s5 =	sshll.u32 s0, $0x9  }
0x9: {  	s6 =	ssub.s32 $0x2, s0;
	s26 =	sadd.s32 s25, s4;
	s0 =	sshll.u32 s0, $0x10  }
0xa: {  	s7 =	sor.u32 s5, s3;
	s3 =	simm.s32 $0x0;
	s22 =	sshrl.u32 s6, $0x1  }
0xb: {  	s12 =	sadd.s32 s0, s26;
	s0 =	simm.s32 $0x7;
	s5 =	sshrl.u32 s7, $0x3  }
0xc: {  	[smem:$0x7FF] =	sst s3;
	s8 =	ssub.s32 s6, s22;
	s6 =	sadd.s32 $0x200, s1  }
0xd: {  	s23 =	sshll.u32 s7, $0x7;
	s7 =	sadd.s32 $0x300, s1;
	s22 =	simm.s32 $0xD  }
0xe: {  	s2 =	sadd.s32 s5, s2;
	_ =	strace $0x80000047;
	s8 =	smax.u32 s8, $0x1  }
.Ltmp0:
0xf: {  	s2 =	sadd.s32 $0x400, s2;
	[dreg:$0x5] =	wrdreg s8;
	(pc) =	sbr.rel .LBB2_1-.Ltmp0, $4  }
0x10: {  	s5 =	sadd.s32 $0x100, s1;
	s8 =	simm.s32 $0xF200;
	[dreg:$0x4] =	wrdreg s2  }
0x11: {  	v0 =	vlaneseq.u32;
	s2 =	sadd.s32 s23, s4;
	s23 =	simm.s32 $0xC200;
	s4 =	simm.s32 $0xEA00  }
0x12: {  	v1 =	vshrl.u32 v0, $0x3;
	s24 =	sadd.s32 $0xFC00, s2;
	s10 =	sadd.s32 $0x1800, s2;
	s11 =	sadd.s32 $0x1C00, s2  }
0x13: {  	vm0 =	vmmov $0xffff;
	v0 =	vand.u32 $0x7, v0;
	v1 =	vmul.u32 $0x8, v1;
	s2 =	simm.s32 $0x6;
	[dreg:$0x6] =	wrdreg s24;
	s24 =	simm.s32 $0x0  }
.LBB2_4:
0x14: {  	_ =	swait.ge [sflag:s15], $0x2000  }
0x15: {  	[sflag:s15] =	ssyncset.done $0x0  }
0x16: {  	s25 =	simm.s32 $0x9;
	s19 =	rddreg [dreg:$0x6];
	[sflag:s15] =	ssyncadd.s32 $0xFFFFE000  }
0x17: {  	[hbm4b:s19+s3] =	stream.linear.scatter [tilespmem:s30], [sflag:$0x10], $0x2000, $0x38;
	[tilespmem:$0x10200] =	vst v63  }
0x18: {  	_ =	swait.ge [sflag:s25], $0x2000  }
0x19: {  	[sflag:s25] =	ssyncset.done $0x0  }
0x1a: {  	s26 =	simm.s32 $0xA;
	[sflag:s25] =	ssyncadd.s32 $0xFFFFE000  }
0x1b: {  	_ =	swait.ge [sflag:s26], $0x2000  }
0x1c: {  	[sflag:s26] =	ssyncset.done $0x0  }
0x1d: {  	s20 =	simm.s32 $0xB;
	[sflag:s26] =	ssyncadd.s32 $0xFFFFE000  }
0x1e: {  	_ =	swait.ge [sflag:s20], $0x2000  }
0x1f: {  	[sflag:s20] =	ssyncset.done $0x0  }
0x20: {  	s24 =	simm.s32 $0xC;
	[sflag:s20] =	ssyncadd.s32 $0xFFFFE000  }
0x21: {  	_ =	swait.ge [sflag:s24], $0x2000  }
0x22: {  	[sflag:s24] =	ssyncset.done $0x0  }
0x23: {  	[sflag:s24] =	ssyncadd.s32 $0xFFFFE000  }
0x24: {  	_ =	swait.ge [sflag:s22], $0x2000  }
0x25: {  	[sflag:s22] =	ssyncset.done $0x0  }
0x26: {  	[sflag:s22] =	ssyncadd.s32 $0xFFFFE000  }
0x27: {  	_ =	swait.ge [sflag:s17], $0x2000  }
0x28: {  	[sflag:s17] =	ssyncset.done $0x0  }
0x29: {  	s25 =	simm.s32 $0xF;
	[sflag:s17] =	ssyncadd.s32 $0xFFFFE000  }
0x2a: {  	_ =	swait.ge [sflag:s25], $0x2000  }
0x2b: {  	[sflag:s25] =	ssyncset.done $0x0  }
0x2c: {  	s20 =	simm.s32 $0x10;
	[sflag:s25] =	ssyncadd.s32 $0xFFFFE000  }
0x2d: {  	_ =	swait.ge [sflag:s20], $0x2000  }
0x2e: {  	s24 =	rddreg [dreg:$0x7]  }
0x2f: {  	s26 =	rddreg [dreg:$0x5];
	s24 =	sadd.s32 $0x1, s24  }
0x30: {  	p0 =	sne.s32 s24, s26  }
.Ltmp1:
0x31: {  	_ = 	snop;
	(pc) =	sbr.rel @!p0 .LBB2_5-.Ltmp1, $3  }
0x32: {  	_ =	sdelay $0x1  }
0x33: {  	[sflag:s20] =	ssyncset.done $0x0  }
0x34: {  	[sflag:s20] =	ssyncadd.s32 $0xFFFFE000  }
.LBB2_1:
0x35: {  	[dreg:$0x7] =	wrdreg s24  }
0x36: {  	s19 =	rddreg [dreg:$0x4];
	s24 =	simm.s32 $0x11  }
0x37: {  	[tilespmem:s3], [sflag:$0x11] =	stream.linear.gather [hbm4b:s19+s3], $0x200, $0x38;
	[tilespmem:$0x10200] =	vst v63  }
0x38: {  	_ =	swait.ge [sflag:s24], $0x200  }
0x39: {  	[sflag:s24] =	ssyncset.done $0x0  }
0x3a: {  	[sflag:s24] =	ssyncadd.s32 $0xFFFFFE00  }
0x3b: {  	v2 =	vld.msk [tilespmem:$0x0], $0xff;
	_ =	sdelay $0x4  }
0x3c: {  	v3 =	vshll.u32 v2, $0x3  }
0x3d: {  	v2 =	vand.u32 $0x7, v2;
	v3 =	vand.u32 $0xFFFFFFC0, v3  }
0x3e: {  	v2 =	vor.u32 v2, v3  }
0x3f: {  	v2 =	vperm.xlane v2, v0;
	_ =	sdelay $0x1  }
0x40: {  	v2 =	vadd.s32 v1, v2;
	_ =	sdelay $0x3  }
0x41: {  	s25 =	simm.s32 $0x200  }
0x42: {  	[tilespmem:s25], [sflag:$0x1] =	stream.indirect_vreg.gather [hbm4b:s1+s3], $0x80, v2, vm0, $0xb8;
	[tilespmem:$0x10200] =	vst v63  }
0x43: {  	s26 =	simm.s32 $0xA00  }
0x44: {  	[tilespmem:s26], [sflag:$0x1] =	stream.indirect_vreg.gather [hbm4b:s5+s3], $0x80, v2, vm0, $0xb8;
	[tilespmem:$0x10200] =	vst v63  }
0x45: {  	s20 =	simm.s32 $0x1200  }
0x46: {  	[tilespmem:s20], [sflag:$0x1] =	stream.indirect_vreg.gather [hbm4b:s6+s3], $0x80, v2, vm0, $0xb8;
	[tilespmem:$0x10200] =	vst v63  }
0x47: {  	s24 =	simm.s32 $0x1A00  }
0x48: {  	[tilespmem:s24], [sflag:$0x1] =	stream.indirect_vreg.gather [hbm4b:s7+s3], $0x80, v2, vm0, $0xb8;
	[tilespmem:$0x10200] =	vst v63  }
0x49: {  	v2 =	vld.msk [tilespmem:$0x8], $0xff;
	_ =	sdelay $0x4  }
0x4a: {  	v3 =	vshll.u32 v2, $0x3  }
0x4b: {  	v2 =	vand.u32 $0x7, v2;
	v3 =	vand.u32 $0xFFFFFFC0, v3  }
0x4c: {  	v2 =	vor.u32 v2, v3  }
0x4d: {  	v2 =	vperm.xlane v2, v0;
	_ =	sdelay $0x1  }
0x4e: {  	v2 =	vadd.s32 v1, v2;
	_ =	sdelay $0x3  }
0x4f: {  	s25 =	simm.s32 $0x2200  }
0x50: {  	[tilespmem:s25], [sflag:$0x2] =	stream.indirect_vreg.gather [hbm4b:s1+s3], $0x80, v2, vm0, $0xb8;
	[tilespmem:$0x10200] =	vst v63  }
0x51: {  	s26 =	simm.s32 $0x2A00  }
0x52: {  	[tilespmem:s26], [sflag:$0x2] =	stream.indirect_vreg.gather [hbm4b:s5+s3], $0x80, v2, vm0, $0xb8;
	[tilespmem:$0x10200] =	vst v63  }
0x53: {  	s20 =	simm.s32 $0x3200  }
0x54: {  	[tilespmem:s20], [sflag:$0x2] =	stream.indirect_vreg.gather [hbm4b:s6+s3], $0x80, v2, vm0, $0xb8;
	[tilespmem:$0x10200] =	vst v63  }
0x55: {  	s24 =	simm.s32 $0x3A00  }
0x56: {  	[tilespmem:s24], [sflag:$0x2] =	stream.indirect_vreg.gather [hbm4b:s7+s3], $0x80, v2, vm0, $0xb8;
	[tilespmem:$0x10200] =	vst v63  }
0x57: {  	v2 =	vld.msk [tilespmem:$0x10], $0xff;
	_ =	sdelay $0x4  }
0x58: {  	v3 =	vshll.u32 v2, $0x3  }
0x59: {  	v2 =	vand.u32 $0x7, v2;
	v3 =	vand.u32 $0xFFFFFFC0, v3  }
0x5a: {  	v2 =	vor.u32 v2, v3  }
0x5b: {  	v2 =	vperm.xlane v2, v0;
	_ =	sdelay $0x1  }
0x5c: {  	v2 =	vadd.s32 v1, v2;
	_ =	sdelay $0x3  }
0x5d: {  	s25 =	simm.s32 $0x4200  }
0x5e: {  	[tilespmem:s25], [sflag:$0x3] =	stream.indirect_vreg.gather [hbm4b:s1+s3], $0x80, v2, vm0, $0xb8;
	[tilespmem:$0x10200] =	vst v63  }
0x5f: {  	s26 =	simm.s32 $0x4A00  }
0x60: {  	[tilespmem:s26], [sflag:$0x3] =	stream.indirect_vreg.gather [hbm4b:s5+s3], $0x80, v2, vm0, $0xb8;
	[tilespmem:$0x10200] =	vst v63  }
0x61: {  	s20 =	simm.s32 $0x5200  }
0x62: {  	[tilespmem:s20], [sflag:$0x3] =	stream.indirect_vreg.gather [hbm4b:s6+s3], $0x80, v2, vm0, $0xb8;
	[tilespmem:$0x10200] =	vst v63  }
0x63: {  	s24 =	simm.s32 $0x5A00  }
0x64: {  	[tilespmem:s24], [sflag:$0x3] =	stream.indirect_vreg.gather [hbm4b:s7+s3], $0x80, v2, vm0, $0xb8;
	[tilespmem:$0x10200] =	vst v63  }
0x65: {  	v2 =	vld.msk [tilespmem:$0x18], $0xff;
	_ =	sdelay $0x4  }
0x66: {  	v3 =	vshll.u32 v2, $0x3  }
0x67: {  	v2 =	vand.u32 $0x7, v2;
	v3 =	vand.u32 $0xFFFFFFC0, v3  }
0x68: {  	v2 =	vor.u32 v2, v3  }
0x69: {  	v2 =	vperm.xlane v2, v0;
	_ =	sdelay $0x1  }
0x6a: {  	v2 =	vadd.s32 v1, v2;
	_ =	sdelay $0x3  }
0x6b: {  	s25 =	simm.s32 $0x6200  }
0x6c: {  	[tilespmem:s25], [sflag:$0x4] =	stream.indirect_vreg.gather [hbm4b:s1+s3], $0x80, v2, vm0, $0xb8;
	[tilespmem:$0x10200] =	vst v63  }
0x6d: {  	s26 =	simm.s32 $0x6A00  }
0x6e: {  	[tilespmem:s26], [sflag:$0x4] =	stream.indirect_vreg.gather [hbm4b:s5+s3], $0x80, v2, vm0, $0xb8;
	[tilespmem:$0x10200] =	vst v63  }
0x6f: {  	s20 =	simm.s32 $0x7200  }
0x70: {  	[tilespmem:s20], [sflag:$0x4] =	stream.indirect_vreg.gather [hbm4b:s6+s3], $0x80, v2, vm0, $0xb8;
	[tilespmem:$0x10200] =	vst v63  }
0x71: {  	s24 =	simm.s32 $0x7A00  }
0x72: {  	[tilespmem:s24], [sflag:$0x4] =	stream.indirect_vreg.gather [hbm4b:s7+s3], $0x80, v2, vm0, $0xb8;
	[tilespmem:$0x10200] =	vst v63  }
0x73: {  	v2 =	vld.msk [tilespmem:$0x20], $0xff;
	_ =	sdelay $0x4  }
0x74: {  	v3 =	vshll.u32 v2, $0x3  }
0x75: {  	v2 =	vand.u32 $0x7, v2;
	v3 =	vand.u32 $0xFFFFFFC0, v3  }
0x76: {  	v2 =	vor.u32 v2, v3  }
0x77: {  	v2 =	vperm.xlane v2, v0;
	_ =	sdelay $0x1  }
0x78: {  	v2 =	vadd.s32 v1, v2;
	_ =	sdelay $0x4  }
0x79: {  	[tilespmem:s31], [sflag:$0x5] =	stream.indirect_vreg.gather [hbm4b:s1+s3], $0x80, v2, vm0, $0xb8;
	[tilespmem:$0x10200] =	vst v63  }
0x7a: {  	s25 =	simm.s32 $0x8A00  }
0x7b: {  	[tilespmem:s25], [sflag:$0x5] =	stream.indirect_vreg.gather [hbm4b:s5+s3], $0x80, v2, vm0, $0xb8;
	[tilespmem:$0x10200] =	vst v63  }
0x7c: {  	s26 =	simm.s32 $0x9200  }
0x7d: {  	[tilespmem:s26], [sflag:$0x5] =	stream.indirect_vreg.gather [hbm4b:s6+s3], $0x80, v2, vm0, $0xb8;
	[tilespmem:$0x10200] =	vst v63  }
0x7e: {  	s20 =	simm.s32 $0x9A00  }
0x7f: {  	[tilespmem:s20], [sflag:$0x5] =	stream.indirect_vreg.gather [hbm4b:s7+s3], $0x80, v2, vm0, $0xb8;
	[tilespmem:$0x10200] =	vst v63  }
0x80: {  	v2 =	vld.msk [tilespmem:$0x28], $0xff;
	_ =	sdelay $0x4  }
0x81: {  	v3 =	vshll.u32 v2, $0x3  }
0x82: {  	v2 =	vand.u32 $0x7, v2;
	v3 =	vand.u32 $0xFFFFFFC0, v3  }
0x83: {  	v2 =	vor.u32 v2, v3  }
0x84: {  	v2 =	vperm.xlane v2, v0;
	_ =	sdelay $0x1  }
0x85: {  	v2 =	vadd.s32 v1, v2;
	_ =	sdelay $0x4  }
0x86: {  	[tilespmem:s16], [sflag:$0x6] =	stream.indirect_vreg.gather [hbm4b:s1+s3], $0x80, v2, vm0, $0xb8;
	[tilespmem:$0x10200] =	vst v63  }
0x87: {  	s24 =	simm.s32 $0xAA00  }
0x88: {  	[tilespmem:s24], [sflag:$0x6] =	stream.indirect_vreg.gather [hbm4b:s5+s3], $0x80, v2, vm0, $0xb8;
	[tilespmem:$0x10200] =	vst v63  }
0x89: {  	s25 =	simm.s32 $0xB200  }
0x8a: {  	[tilespmem:s25], [sflag:$0x6] =	stream.indirect_vreg.gather [hbm4b:s6+s3], $0x80, v2, vm0, $0xb8;
	[tilespmem:$0x10200] =	vst v63  }
0x8b: {  	s26 =	simm.s32 $0xBA00  }
0x8c: {  	[tilespmem:s26], [sflag:$0x6] =	stream.indirect_vreg.gather [hbm4b:s7+s3], $0x80, v2, vm0, $0xb8;
	[tilespmem:$0x10200] =	vst v63  }
0x8d: {  	s19 =	simm.s32 $0x38;
	s26 =	simm.s32 $0x0  }
.LBB2_2:
0x8e: {  	_ =	swait.ge [sflag:s21], $0x2000  }
0x8f: {  	s20 =	sadd.s32 s26, s12;
	[sflag:s21] =	ssyncset.done $0x0  }
0x90: {  	s24 =	simm.s32 $0x200;
	p0 =	seq.s32 s26, $0x0;
	[sflag:s21] =	ssyncadd.s32 $0xFFFFE000  }
0x91: {  	[hbm4b:s20+s3] =	stream.linear.scatter [tilespmem:s24], [sflag:$0x9], $0x2000, $0x38;
	[tilespmem:$0x10200] =	vst v63  }
0x92: {  	s24 =	simm.s32 @!p0 $0xF  }
0x93: {  	_ =	swait.ge @!p0 [sflag:s24], $0x2000  }
0x94: {  	[sflag:s24] =	ssyncset.done @!p0 $0x0  }
0x95: {  	[sflag:s24] =	ssyncadd.s32 @!p0 $0xFFFFE000  }
0x96: {  	v2 =	vld.msk [tilespmem:s19+$0xFFFFFFF8], $0xff;
	_ =	sdelay $0x4  }
0x97: {  	v3 =	vshll.u32 v2, $0x3  }
0x98: {  	v2 =	vand.u32 $0x7, v2;
	v3 =	vand.u32 $0xFFFFFFC0, v3  }
0x99: {  	v2 =	vor.u32 v2, v3  }
0x9a: {  	v2 =	vperm.xlane v2, v0;
	_ =	sdelay $0x1  }
0x9b: {  	v2 =	vadd.s32 v1, v2;
	_ =	sdelay $0x4  }
0x9c: {  	[tilespmem:s23], [sflag:$0x7] =	stream.indirect_vreg.gather [hbm4b:s1+s3], $0x80, v2, vm0, $0xb8;
	[tilespmem:$0x10200] =	vst v63  }
0x9d: {  	s25 =	simm.s32 $0xCA00  }
0x9e: {  	[tilespmem:s25], [sflag:$0x7] =	stream.indirect_vreg.gather [hbm4b:s5+s3], $0x80, v2, vm0, $0xb8;
	[tilespmem:$0x10200] =	vst v63  }
0x9f: {  	s25 =	simm.s32 $0xD200  }
0xa0: {  	[tilespmem:s25], [sflag:$0x7] =	stream.indirect_vreg.gather [hbm4b:s6+s3], $0x80, v2, vm0, $0xb8;
	[tilespmem:$0x10200] =	vst v63  }
0xa1: {  	s25 =	simm.s32 $0xDA00  }
0xa2: {  	[tilespmem:s25], [sflag:$0x7] =	stream.indirect_vreg.gather [hbm4b:s7+s3], $0x80, v2, vm0, $0xb8;
	[tilespmem:$0x10200] =	vst v63  }
0xa3: {  	_ =	swait.ge [sflag:s29], $0x2000  }
0xa4: {  	[sflag:s29] =	ssyncset.done $0x0  }
0xa5: {  	s24 =	sadd.s32 $0x400, s20;
	s25 =	simm.s32 $0x2200;
	[sflag:s29] =	ssyncadd.s32 $0xFFFFE000  }
0xa6: {  	[hbm4b:s24+s3] =	stream.linear.scatter [tilespmem:s25], [sflag:$0xA], $0x2000, $0x38;
	[tilespmem:$0x10200] =	vst v63  }
0xa7: {  	s24 =	simm.s32 @!p0 $0x10  }
0xa8: {  	_ =	swait.ge @!p0 [sflag:s24], $0x2000  }
0xa9: {  	[sflag:s24] =	ssyncset.done @!p0 $0x0  }
0xaa: {  	[sflag:s24] =	ssyncadd.s32 @!p0 $0xFFFFE000  }
0xab: {  	v2 =	vld.msk [tilespmem:s19+$0x0], $0xff;
	_ =	sdelay $0x4  }
0xac: {  	v3 =	vshll.u32 v2, $0x3  }
0xad: {  	v2 =	vand.u32 $0x7, v2;
	v3 =	vand.u32 $0xFFFFFFC0, v3  }
0xae: {  	v2 =	vor.u32 v2, v3  }
0xaf: {  	v2 =	vperm.xlane v2, v0;
	_ =	sdelay $0x1  }
0xb0: {  	v2 =	vadd.s32 v1, v2;
	_ =	sdelay $0x4  }
0xb1: {  	[tilespmem:s30], [sflag:$0x8] =	stream.indirect_vreg.gather [hbm4b:s1+s3], $0x80, v2, vm0, $0xb8;
	[tilespmem:$0x10200] =	vst v63  }
0xb2: {  	_ = 	snop  }
0xb3: {  	[tilespmem:s4], [sflag:$0x8] =	stream.indirect_vreg.gather [hbm4b:s5+s3], $0x80, v2, vm0, $0xb8;
	[tilespmem:$0x10200] =	vst v63  }
0xb4: {  	_ = 	snop  }
0xb5: {  	[tilespmem:s8], [sflag:$0x8] =	stream.indirect_vreg.gather [hbm4b:s6+s3], $0x80, v2, vm0, $0xb8;
	[tilespmem:$0x10200] =	vst v63  }
0xb6: {  	_ = 	snop  }
0xb7: {  	[tilespmem:s9], [sflag:$0x8] =	stream.indirect_vreg.gather [hbm4b:s7+s3], $0x80, v2, vm0, $0xb8;
	[tilespmem:$0x10200] =	vst v63  }
0xb8: {  	_ =	swait.ge [sflag:s13], $0x2000  }
0xb9: {  	s25 =	simm.s32 $0x4200;
	[sflag:s13] =	ssyncset.done $0x0  }
0xba: {  	s24 =	sadd.s32 $0x800, s20;
	p0 =	seq.s32 s26, $0xE000;
	[sflag:s13] =	ssyncadd.s32 $0xFFFFE000  }
0xbb: {  	[hbm4b:s24+s3] =	stream.linear.scatter [tilespmem:s25], [sflag:$0xB], $0x2000, $0x38;
	[tilespmem:$0x10200] =	vst v63  }
0xbc: {  	s24 =	simm.s32 @!p0 $0x9  }
0xbd: {  	_ =	swait.ge @!p0 [sflag:s24], $0x2000  }
0xbe: {  	[sflag:s24] =	ssyncset.done @!p0 $0x0  }
0xbf: {  	[sflag:s24] =	ssyncadd.s32 @!p0 $0xFFFFE000  }
0xc0: {  	v2 =	vld.msk @!p0 [tilespmem:s19+$0x8], $0xff;
	_ =	sdelay $0x4  }
0xc1: {  	v3 =	vshll.u32 @!p0 v2, $0x3  }
0xc2: {  	v4 =	vlaneseq.u32 @!p0;
	v2 =	vand.u32 @!p0 $0x7, v2;
	v3 =	vand.u32 @!p0 $0xFFFFFFC0, v3  }
0xc3: {  	v2 =	vor.u32 @!p0 v2, v3;
	v3 =	vand.u32 @!p0 $0x7, v4;
	v4 =	vshrl.u32 @!p0 v4, $0x3  }
0xc4: {  	v2 =	vperm.xlane @!p0 v2, v3;
	v4 =	vmul.u32 @!p0 $0x8, v4;
	_ =	sdelay $0x1  }
0xc5: {  	v2 =	vadd.s32 @!p0 v4, v2;
	_ =	sdelay $0x3  }
0xc6: {  	vm1 =	vmmov @!p0 $0xffff;
	s25 =	simm.s32 @!p0 $0x200;
	s24 =	simm.s32 @!p0 $0x0  }
0xc7: {  	[tilespmem:s25], [sflag:$0x1] =	stream.indirect_vreg.gather @!p0 [hbm4b:s1+s24], $0x80, v2, vm1, $0xb8;
	[tilespmem:$0x10200] =	vst v63  }
0xc8: {  	s25 =	simm.s32 @!p0 $0xA00  }
0xc9: {  	[tilespmem:s25], [sflag:$0x1] =	stream.indirect_vreg.gather @!p0 [hbm4b:s5+s24], $0x80, v2, vm1, $0xb8;
	[tilespmem:$0x10200] =	vst v63  }
0xca: {  	s25 =	simm.s32 @!p0 $0x1200  }
0xcb: {  	[tilespmem:s25], [sflag:$0x1] =	stream.indirect_vreg.gather @!p0 [hbm4b:s6+s24], $0x80, v2, vm1, $0xb8;
	[tilespmem:$0x10200] =	vst v63  }
0xcc: {  	s25 =	simm.s32 @!p0 $0x1A00  }
0xcd: {  	[tilespmem:s25], [sflag:$0x1] =	stream.indirect_vreg.gather @!p0 [hbm4b:s7+s24], $0x80, v2, vm1, $0xb8;
	[tilespmem:$0x10200] =	vst v63  }
0xce: {  	_ =	swait.ge [sflag:s14], $0x2000  }
0xcf: {  	[sflag:s14] =	ssyncset.done $0x0  }
0xd0: {  	s25 =	sadd.s32 $0xC00, s20;
	[sflag:s14] =	ssyncadd.s32 $0xFFFFE000  }
0xd1: {  	[hbm4b:s25+s3] =	stream.linear.scatter [tilespmem:s28], [sflag:$0xC], $0x2000, $0x38;
	[tilespmem:$0x10200] =	vst v63  }
0xd2: {  	s25 =	simm.s32 @!p0 $0xA  }
0xd3: {  	_ =	swait.ge @!p0 [sflag:s25], $0x2000  }
0xd4: {  	[sflag:s25] =	ssyncset.done @!p0 $0x0  }
0xd5: {  	[sflag:s25] =	ssyncadd.s32 @!p0 $0xFFFFE000  }
0xd6: {  	v2 =	vld.msk @!p0 [tilespmem:s19+$0x10], $0xff;
	_ =	sdelay $0x4  }
0xd7: {  	v5 =	vshll.u32 @!p0 v2, $0x3  }
0xd8: {  	v2 =	vand.u32 @!p0 $0x7, v2;
	v5 =	vand.u32 @!p0 $0xFFFFFFC0, v5  }
0xd9: {  	v2 =	vor.u32 @!p0 v2, v5  }
0xda: {  	v2 =	vperm.xlane @!p0 v2, v3;
	_ =	sdelay $0x1  }
0xdb: {  	v2 =	vadd.s32 @!p0 v4, v2;
	_ =	sdelay $0x3  }
0xdc: {  	s25 =	simm.s32 @!p0 $0x2200  }
0xdd: {  	[tilespmem:s25], [sflag:$0x2] =	stream.indirect_vreg.gather @!p0 [hbm4b:s1+s24], $0x80, v2, vm1, $0xb8;
	[tilespmem:$0x10200] =	vst v63  }
0xde: {  	s25 =	simm.s32 @!p0 $0x2A00  }
0xdf: {  	[tilespmem:s25], [sflag:$0x2] =	stream.indirect_vreg.gather @!p0 [hbm4b:s5+s24], $0x80, v2, vm1, $0xb8;
	[tilespmem:$0x10200] =	vst v63  }
0xe0: {  	s25 =	simm.s32 @!p0 $0x3200  }
0xe1: {  	[tilespmem:s25], [sflag:$0x2] =	stream.indirect_vreg.gather @!p0 [hbm4b:s6+s24], $0x80, v2, vm1, $0xb8;
	[tilespmem:$0x10200] =	vst v63  }
0xe2: {  	s25 =	simm.s32 @!p0 $0x3A00  }
0xe3: {  	[tilespmem:s25], [sflag:$0x2] =	stream.indirect_vreg.gather @!p0 [hbm4b:s7+s24], $0x80, v2, vm1, $0xb8;
	[tilespmem:$0x10200] =	vst v63  }
0xe4: {  	_ =	swait.ge [sflag:s18], $0x2000  }
0xe5: {  	[sflag:s18] =	ssyncset.done $0x0  }
0xe6: {  	s25 =	sadd.s32 $0x1000, s20;
	[sflag:s18] =	ssyncadd.s32 $0xFFFFE000  }
0xe7: {  	[hbm4b:s25+s3] =	stream.linear.scatter [tilespmem:s31], [sflag:$0xD], $0x2000, $0x38;
	[tilespmem:$0x10200] =	vst v63  }
0xe8: {  	s25 =	simm.s32 @!p0 $0xB  }
0xe9: {  	_ =	swait.ge @!p0 [sflag:s25], $0x2000  }
0xea: {  	[sflag:s25] =	ssyncset.done @!p0 $0x0  }
0xeb: {  	[sflag:s25] =	ssyncadd.s32 @!p0 $0xFFFFE000  }
0xec: {  	v2 =	vld.msk @!p0 [tilespmem:s19+$0x18], $0xff;
	_ =	sdelay $0x4  }
0xed: {  	v5 =	vshll.u32 @!p0 v2, $0x3  }
0xee: {  	v2 =	vand.u32 @!p0 $0x7, v2;
	v5 =	vand.u32 @!p0 $0xFFFFFFC0, v5  }
0xef: {  	v2 =	vor.u32 @!p0 v2, v5  }
0xf0: {  	v2 =	vperm.xlane @!p0 v2, v3;
	_ =	sdelay $0x1  }
0xf1: {  	v2 =	vadd.s32 @!p0 v4, v2;
	_ =	sdelay $0x3  }
0xf2: {  	s25 =	simm.s32 @!p0 $0x4200  }
0xf3: {  	[tilespmem:s25], [sflag:$0x3] =	stream.indirect_vreg.gather @!p0 [hbm4b:s1+s24], $0x80, v2, vm1, $0xb8;
	[tilespmem:$0x10200] =	vst v63  }
0xf4: {  	s25 =	simm.s32 @!p0 $0x4A00  }
0xf5: {  	[tilespmem:s25], [sflag:$0x3] =	stream.indirect_vreg.gather @!p0 [hbm4b:s5+s24], $0x80, v2, vm1, $0xb8;
	[tilespmem:$0x10200] =	vst v63  }
0xf6: {  	s25 =	simm.s32 @!p0 $0x5200  }
0xf7: {  	[tilespmem:s25], [sflag:$0x3] =	stream.indirect_vreg.gather @!p0 [hbm4b:s6+s24], $0x80, v2, vm1, $0xb8;
	[tilespmem:$0x10200] =	vst v63  }
0xf8: {  	s25 =	simm.s32 @!p0 $0x5A00  }
0xf9: {  	[tilespmem:s25], [sflag:$0x3] =	stream.indirect_vreg.gather @!p0 [hbm4b:s7+s24], $0x80, v2, vm1, $0xb8;
	[tilespmem:$0x10200] =	vst v63  }
0xfa: {  	_ =	swait.ge [sflag:s2], $0x2000  }
0xfb: {  	[sflag:s2] =	ssyncset.done $0x0  }
0xfc: {  	s20 =	sadd.s32 $0x1400, s20;
	[sflag:s2] =	ssyncadd.s32 $0xFFFFE000  }
0xfd: {  	[hbm4b:s20+s3] =	stream.linear.scatter [tilespmem:s16], [sflag:$0xE], $0x2000, $0x38;
	[tilespmem:$0x10200] =	vst v63  }
0xfe: {  	s20 =	simm.s32 @!p0 $0xC  }
0xff: {  	_ =	swait.ge @!p0 [sflag:s20], $0x2000  }
0x100: {  	[sflag:s20] =	ssyncset.done @!p0 $0x0  }
0x101: {  	[sflag:s20] =	ssyncadd.s32 @!p0 $0xFFFFE000  }
0x102: {  	v2 =	vld.msk @!p0 [tilespmem:s19+$0x20], $0xff;
	_ =	sdelay $0x4  }
0x103: {  	v5 =	vshll.u32 @!p0 v2, $0x3  }
0x104: {  	v2 =	vand.u32 @!p0 $0x7, v2;
	v5 =	vand.u32 @!p0 $0xFFFFFFC0, v5  }
0x105: {  	v2 =	vor.u32 @!p0 v2, v5  }
0x106: {  	v2 =	vperm.xlane @!p0 v2, v3;
	_ =	sdelay $0x1  }
0x107: {  	v2 =	vadd.s32 @!p0 v4, v2;
	_ =	sdelay $0x3  }
0x108: {  	s20 =	simm.s32 @!p0 $0x6200  }
0x109: {  	[tilespmem:s20], [sflag:$0x4] =	stream.indirect_vreg.gather @!p0 [hbm4b:s1+s24], $0x80, v2, vm1, $0xb8;
	[tilespmem:$0x10200] =	vst v63  }
0x10a: {  	s20 =	simm.s32 @!p0 $0x6A00  }
0x10b: {  	[tilespmem:s20], [sflag:$0x4] =	stream.indirect_vreg.gather @!p0 [hbm4b:s5+s24], $0x80, v2, vm1, $0xb8;
	[tilespmem:$0x10200] =	vst v63  }
0x10c: {  	s20 =	simm.s32 @!p0 $0x7200  }
0x10d: {  	[tilespmem:s20], [sflag:$0x4] =	stream.indirect_vreg.gather @!p0 [hbm4b:s6+s24], $0x80, v2, vm1, $0xb8;
	[tilespmem:$0x10200] =	vst v63  }
0x10e: {  	s20 =	simm.s32 @!p0 $0x7A00  }
0x10f: {  	[tilespmem:s20], [sflag:$0x4] =	stream.indirect_vreg.gather @!p0 [hbm4b:s7+s24], $0x80, v2, vm1, $0xb8;
	[tilespmem:$0x10200] =	vst v63  }
.Ltmp2:
0x110: {  	_ = 	snop;
	(pc) =	sbr.rel @p0 .LBB2_4-.Ltmp2, $4  }
0x111: {  	_ =	swait.ge [sflag:s0], $0x2000  }
0x112: {  	[sflag:s0] =	ssyncset.done $0x0  }
0x113: {  	s25 =	sadd.s32 s26, s10;
	[sflag:s0] =	ssyncadd.s32 $0xFFFFE000  }
0x114: {  	[hbm4b:s25+s3] =	stream.linear.scatter [tilespmem:s23], [sflag:$0xF], $0x2000, $0x38;
	[tilespmem:$0x10200] =	vst v63  }
0x115: {  	_ =	swait.ge [sflag:s22], $0x2000  }
0x116: {  	[sflag:s22] =	ssyncset.done $0x0  }
0x117: {  	[sflag:s22] =	ssyncadd.s32 $0xFFFFE000  }
0x118: {  	v2 =	vld.msk [tilespmem:s19+$0x28], $0xff;
	_ =	sdelay $0x4  }
0x119: {  	v3 =	vshll.u32 v2, $0x3  }
0x11a: {  	v2 =	vand.u32 $0x7, v2;
	v3 =	vand.u32 $0xFFFFFFC0, v3  }
0x11b: {  	v2 =	vor.u32 v2, v3  }
0x11c: {  	v2 =	vperm.xlane v2, v0;
	_ =	sdelay $0x1  }
0x11d: {  	v2 =	vadd.s32 v1, v2;
	_ =	sdelay $0x4  }
0x11e: {  	[tilespmem:s31], [sflag:$0x5] =	stream.indirect_vreg.gather [hbm4b:s1+s3], $0x80, v2, vm0, $0xb8;
	[tilespmem:$0x10200] =	vst v63  }
0x11f: {  	s20 =	simm.s32 $0x8A00  }
0x120: {  	[tilespmem:s20], [sflag:$0x5] =	stream.indirect_vreg.gather [hbm4b:s5+s3], $0x80, v2, vm0, $0xb8;
	[tilespmem:$0x10200] =	vst v63  }
0x121: {  	s24 =	simm.s32 $0x9200  }
0x122: {  	[tilespmem:s24], [sflag:$0x5] =	stream.indirect_vreg.gather [hbm4b:s6+s3], $0x80, v2, vm0, $0xb8;
	[tilespmem:$0x10200] =	vst v63  }
0x123: {  	s25 =	simm.s32 $0x9A00  }
0x124: {  	[tilespmem:s25], [sflag:$0x5] =	stream.indirect_vreg.gather [hbm4b:s7+s3], $0x80, v2, vm0, $0xb8;
	[tilespmem:$0x10200] =	vst v63  }
0x125: {  	_ =	swait.ge [sflag:s15], $0x2000  }
0x126: {  	[sflag:s15] =	ssyncset.done $0x0  }
0x127: {  	s24 =	sadd.s32 s26, s11;
	[sflag:s15] =	ssyncadd.s32 $0xFFFFE000  }
0x128: {  	[hbm4b:s24+s3] =	stream.linear.scatter [tilespmem:s30], [sflag:$0x10], $0x2000, $0x38;
	[tilespmem:$0x10200] =	vst v63  }
0x129: {  	_ =	swait.ge [sflag:s17], $0x2000  }
0x12a: {  	[sflag:s17] =	ssyncset.done $0x0  }
0x12b: {  	[sflag:s17] =	ssyncadd.s32 $0xFFFFE000  }
0x12c: {  	v2 =	vld.msk [tilespmem:s19+$0x30], $0xff;
	_ =	sdelay $0x4  }
0x12d: {  	v3 =	vshll.u32 v2, $0x3  }
0x12e: {  	v2 =	vand.u32 $0x7, v2;
	v3 =	vand.u32 $0xFFFFFFC0, v3  }
0x12f: {  	v2 =	vor.u32 v2, v3  }
0x130: {  	v2 =	vperm.xlane v2, v0;
	_ =	sdelay $0x1  }
0x131: {  	v2 =	vadd.s32 v1, v2;
	_ =	sdelay $0x4  }
0x132: {  	[tilespmem:s16], [sflag:$0x6] =	stream.indirect_vreg.gather [hbm4b:s1+s3], $0x80, v2, vm0, $0xb8;
	[tilespmem:$0x10200] =	vst v63  }
0x133: {  	s25 =	simm.s32 $0xAA00  }
0x134: {  	[tilespmem:s25], [sflag:$0x6] =	stream.indirect_vreg.gather [hbm4b:s5+s3], $0x80, v2, vm0, $0xb8;
	[tilespmem:$0x10200] =	vst v63  }
.Ltmp3:
0x135: {  	_ = 	snop;
	(pc) =	sbr.rel .LBB2_2-.Ltmp3, $4  }
0x136: {  	s24 =	simm.s32 $0xB200  }
0x137: {  	[tilespmem:s24], [sflag:$0x6] =	stream.indirect_vreg.gather [hbm4b:s6+s3], $0x80, v2, vm0, $0xb8;
	[tilespmem:$0x10200] =	vst v63  }
0x138: {  	s26 =	sadd.s32 $0x2000, s26;
	s19 =	sadd.s32 $0x40, s19;
	s25 =	simm.s32 $0xBA00  }
0x139: {  	[tilespmem:s25], [sflag:$0x6] =	stream.indirect_vreg.gather [hbm4b:s7+s3], $0x80, v2, vm0, $0xb8;
	[tilespmem:$0x10200] =	vst v63  }
.LBB2_5:
0x13a: {  	_ =	sfence.sel $0x180000  }
0x13b: {  	[bflag:$0x0] =	sbarrier.arrive $0xFFFF  }
0x13c: {  	_ =	strace $0x90000047  }
0x13d: {  	s0 =	stileid.u32;
	[bflag:$0x2] =	sbarrier.arrive $0xFFFF  }
0x13e: {  	p0 =	sne.s32 s0, $0x0;
	s0 =	rddreg [dreg:$0x3]  }
0x13f: {  	s0 =	sadd.s32 @!p0 $0x100000, s0  }
0x140: {  	[sflag:s0] =	ssyncadd.tile.s32 @!p0 $0x1;
	_ =	shalt  }
.Lfunc_end2:
_tile_overlayer_lowered:
.L_overlay_start_2:
0x141: {  	(tag) =	ssettag $0x2  }
0x142: {  	s0 =	rddreg [dreg:$0x0];
	s2 =	stileid.u32  }
0x143: {  	s1 =	rddreg [dreg:$0x1];
	p0 =	sne.s32 s2, $0x0  }
0x144: {  	s3 =	rddreg [dreg:$0x2];
	[bflag:$0x3] =	sbarrier.arrive $0xFFFF;
	s2 =	simm.s32 @!p0 $0x1C11  }
0x145: {  	[timem:s3], [sflag:s2] =	dma.local @!p0 [hbm:s0], s1  }
0x146: {  	s0 =	simm.s32 @!p0 $0x11  }
0x147: {  	_ =	swait.ge @!p0 [sflag:s0], s1  }
0x148: {  	s1 =	ssub.s32 @!p0 $0x0, s1;
	[sflag:s0] =	ssyncset.done @!p0 $0x0  }
0x149: {  	[sflag:s0] =	ssyncadd.s32 @!p0 s1  }
0x14a: {  	[bflag:$0x3] =	sbarrier.arrive $0xFFFF  }
0x14b: {  	_ =	shalt  }

</sc_bundles>
